<compile_context>
chip_gen: v7x
topology: tpu7x:2x2x1
jax: 0.10.2.dev20260603
libtpu: 0.0.44.dev20260713+nightly
codegen_flags: <defaults>
</compile_context>

<pallas_src>
import functools

import jax
import jax.numpy as jnp
from jax import lax
from jax.experimental import pallas as pl
from jax.experimental.pallas import tpu as pltpu
from jax.experimental.pallas import tpu_sc as plsc

NF = 64
NX = 512
NXY = 512 * 512
P = 30000
PPAD = 30720
NW = 32
SLAB = NXY // NW
CW = 256
NCH = SLAB // CW
GB = 64
PAD_IDX = 1 << 28
BIGK = 1 << 30


def _shift_up(v):
  lane = lax.iota(jnp.int32, 16)
  ids = jnp.minimum(lane + 1, 15)
  return jnp.take_along_axis(v, ids, axis=0)


def _body(pf_hbm, idx_hbm, out_hbm, idx_buf, w_ref, c2d, p2d, gath, blk,
          cnts, sem):
  wid = lax.axis_index("s") * 2 + lax.axis_index("c")
  base = wid * SLAB
  lane = lax.iota(jnp.int32, 16)
  neg1 = jnp.full((16,), -1, jnp.int32)
  zf32 = jnp.zeros((16,), jnp.float32)

  pltpu.sync_copy(idx_hbm, idx_buf)

  def init_w(i, c):
    w_ref[pl.ds(i * 16, 16)] = neg1
    p2d[i >> 4, pl.ds((i & 15) * 16, 16)] = (i * 16 + lane) & 8191
    return c
  lax.fori_loop(0, SLAB // 16, init_w, 0)

  def init_blk(i, c):
    blk[i >> 4, pl.ds((i & 15) * 16, 16)] = zf32
    return c
  lax.fori_loop(0, (NF * CW) // 16, init_blk, 0)

  def p1(k, c):
    vi = idx_buf[pl.ds(k * 16, 16)]
    local = vi - base
    valid = (local >= 0) & (local < SLAB)
    p = k * 16 + lane
    key = jnp.where(valid, local * 16 + lane, BIGK + lane)
    skey, sp = plsc.sort_key_val(key, p)
    srun = skey >> 4
    nxt = _shift_up(srun)
    keep = (skey < BIGK) & ((srun != nxt) | (lane == 15))
    plsc.store_scatter(w_ref, [srun], sp, mask=keep)
    return c
  lax.fori_loop(0, 0, p1, 0)

  def p2(ch, c):
    chv = jnp.full((16,), ch, jnp.int32)
    def inner(g, cnt):
      wv = w_ref[pl.ds(ch * CW + g * 16, 16)]
      m = wv >= 0
      mi = m.astype(jnp.int32)
      pos = cnt + plsc.cumsum(mi) - 1
      col = g * 16 + lane
      plsc.store_scatter(c2d, [chv, pos], col, mask=m)
      plsc.store_scatter(p2d, [chv, pos], wv, mask=m)
      return cnt + jnp.sum(mi)
    cnt = lax.fori_loop(0, CW // 16, inner, jnp.int32(0))
    cnts[ch] = cnt
    return c
  lax.fori_loop(0, NCH, p2, 0)

  def p3(ch, c):
    cnt = cnts[ch]
    col0 = pl.multiple_of(base + ch * CW, CW)
    for b in range(CW // GB):
      @pl.when(cnt > b * GB)
      def _g():
        cp = pltpu.async_copy(
            pf_hbm.at[p2d.at[ch, pl.ds(b * GB, GB)]],
            gath.at[pl.ds(b * GB, GB)], sem)
        cp.wait()

    def fill(j, c2):
      pil = j * 16 + lane
      m = pil < cnt
      cv = c2d[ch, pl.ds(j * 16, 16)]
      for f in range(NF):
        fv = jnp.full((16,), f, jnp.int32)
        vals = plsc.load_gather(gath, [pil, fv], mask=m)
        plsc.store_scatter(blk, [fv, cv], vals, mask=m)
      return c2
    nb = (cnt + 15) // 16
    lax.fori_loop(0, nb, fill, 0)

    xx = pl.multiple_of(col0 & 511, CW)
    pltpu.sync_copy(blk, out_hbm.at[0, :, col0 >> 9, pl.ds(xx, CW)])

    def unfill(j, c2):
      pil = j * 16 + lane
      m = pil < cnt
      cv = c2d[ch, pl.ds(j * 16, 16)]
      for f in range(NF):
        fv = jnp.full((16,), f, jnp.int32)
        plsc.store_scatter(blk, [fv, cv], zf32, mask=m)
      return c2
    lax.fori_loop(0, nb, unfill, 0)
    return c
  lax.fori_loop(0, NCH, p3, 0)


@jax.jit
def _sc_scatter(pillar_features, idx_pad):
  mesh = plsc.VectorSubcoreMesh(
      core_axis_name="c", subcore_axis_name="s", num_cores=2, num_subcores=16)
  run = functools.partial(
      pl.kernel,
      out_type=jax.ShapeDtypeStruct((1, NF, NX, NX), jnp.float32),
      mesh=mesh,
      scratch_types=[
          pltpu.VMEM((PPAD,), jnp.int32),
          pltpu.VMEM((SLAB,), jnp.int32),
          pltpu.VMEM((NCH, CW), jnp.int32),
          pltpu.VMEM((NCH, CW), jnp.int32),
          pltpu.VMEM((CW, NF), jnp.float32),
          pltpu.VMEM((NF, CW), jnp.float32),
          pltpu.SMEM((NCH,), jnp.int32),
          pltpu.SemaphoreType.DMA,
      ],
      compiler_params=pltpu.CompilerParams(
          needs_layout_passes=False, use_tc_tiling_on_sc=False),
  )(_body)
  return run(pillar_features, idx_pad)


def kernel(pillar_features, coords):
  idx = (coords[:, 1] + coords[:, 2] * NX + coords[:, 3]).astype(jnp.int32)
  idx_pad = jnp.concatenate([idx, jnp.full((PPAD - P,), PAD_IDX, jnp.int32)])
  return _sc_scatter(pillar_features, idx_pad)

# --- scband reference (transcript-rebuilt; emitter-appended) ---
"""Pipeline reference for scband-point-pillar-scatter-30709016166584 (READ-ONLY COPY).

The authoritative reference and input builder live on the scoring server;
editing this copy changes nothing except your own understanding.
"""

import jax, jax.numpy as jnp
import numpy as np

NUM_BEV_FEATURES = 64
NX, NY, NZ = 512, 512, 1
P = 30000

def setup_inputs(seed: int = 0) -> dict:
    key = jax.random.key(seed)
    k1, k2 = jax.random.split(key)
    pillar_features = jax.random.normal(k1, (P, NUM_BEV_FEATURES), dtype=jnp.float32)
    # coords layout: [batch_idx, z, y, x]; index = z + y*nx + x must be < nz*nx*ny.
    # max coord value 510 guarantees 509 + 509*512 + 509 = 261626 < 262144.
    coords = jax.random.randint(k2, (P, 4), 0, 510, dtype=jnp.int32)
    return {"pillar_features": pillar_features, "coords": coords}

def reference(pillar_features, coords):
    batch_size = 1
    indices = coords[:, 1] + coords[:, 2] * NX + coords[:, 3]
    indices = indices.astype(jnp.int32)
    # scatter-overwrite: spatial_feature[:, indices] = pillar_features.T
    spatial_feature = jnp.zeros((NUM_BEV_FEATURES, NZ * NX * NY), dtype=pillar_features.dtype)
    spatial_feature = spatial_feature.at[:, indices].set(pillar_features.T)
    batch_spatial_features = spatial_feature[None, ...]
    batch_spatial_features = batch_spatial_features.reshape(batch_size, NUM_BEV_FEATURES * NZ, NY, NX)
    return batch_spatial_features

if __name__ == "__main__":
    import jax
    _d = setup_inputs()
    print(jax.jit(kernel)(*tuple(_d.values())))

</pallas_src>

<mosaic_0001>
#map = affine_map<(d0, d1) -> (0, 0)>
#map1 = affine_map<(d0, d1) -> (0)>
#map2 = affine_map<(d0, d1) -> (0, 0, 0, 0)>
module attributes {stable_mosaic.version = 14 : i64} {
  func.func @_body(%arg0: i32, %arg1: i32, %arg2: memref<30000x64xf32, #tpu.memory_space<hbm>>, %arg3: memref<30720xi32, #tpu.memory_space<hbm>>, %arg4: memref<1x64x512x512xf32, #tpu.memory_space<hbm>>, %arg5: memref<30720xi32, #tpu.memory_space<vmem>>, %arg6: memref<8192xi32, #tpu.memory_space<vmem>>, %arg7: memref<32x256xi32, #tpu.memory_space<vmem>>, %arg8: memref<32x256xi32, #tpu.memory_space<vmem>>, %arg9: memref<256x64xf32, #tpu.memory_space<vmem>>, %arg10: memref<64x256xf32, #tpu.memory_space<vmem>>, %arg11: memref<32xi32, #tpu.memory_space<smem>>, %arg12: memref<!tpu.dma_semaphore, #tpu.memory_space<semaphore_mem>>) attributes {dimension_semantics = [#tpu.dimension_semantics<core_parallel>, #tpu.dimension_semantics<subcore_parallel>], iteration_bounds = array<i64: 2, 16>, scalar_prefetch = 0 : i64, scratch_operands = 8 : i64, tpu.core_type = #tpu.core_type<sc_vector_subcore>, window_params = [{transform_indices = #map}, {transform_indices = #map1}, {transform_indices = #map2}]} {
    %mul3A = arith.constant 2 : i32
    %mul3A_0 = arith.muli %arg1, %mul3A : i32
    %add3A = arith.addi %mul3A_0, %arg0 : i32
    %mul3A_1 = arith.constant 8192 : i32
    %mul3A_2 = arith.muli %add3A, %mul3A_1 : i32
    %iota3A = tpu.iota {dimensions = array<i32: 0>} : vector<16xi32>
    %broadcast_in_dim3A = arith.constant -1 : i32
    %broadcast_in_dim3A_3 = vector.broadcast %broadcast_in_dim3A : i32 to vector<16xi32>
    %broadcast_in_dim3A_4 = arith.constant 0.000000e+00 : f32
    %broadcast_in_dim3A_5 = vector.broadcast %broadcast_in_dim3A_4 : f32 to vector<16xf32>
    "tpu.region"() ({
      %run_scoped3A = tpu.sem_alloc : memref<!tpu.dma_semaphore, #tpu.memory_space<semaphore_mem>>
      tpu.enqueue_dma source(%arg3 : memref<30720xi32, #tpu.memory_space<hbm>>) target(%arg5 : memref<30720xi32, #tpu.memory_space<vmem>>) target_semaphore(%run_scoped3A : memref<!tpu.dma_semaphore, #tpu.memory_space<semaphore_mem>>)
      tpu.wait_dma2 semaphore(%run_scoped3A : memref<!tpu.dma_semaphore, #tpu.memory_space<semaphore_mem>>) src(%arg3 : memref<30720xi32, #tpu.memory_space<hbm>>) dst(%arg5 : memref<30720xi32, #tpu.memory_space<vmem>>)
      tpu.yield
    }) : () -> ()
    %scan3A = arith.constant 0 : i32
    %scan3A_6 = arith.constant 0 : i32
    %scan3A_7 = arith.constant 512 : i32
    %scan3A_8 = arith.addi %scan3A_6, %scan3A_7 : i32
    %scan3A_9 = arith.constant 1 : i32
    scf.for %scan3A_34 = %scan3A_6 to %scan3A_8 step %scan3A_9  : i32 {
      %mul3A_35 = arith.constant 16 : i32
      %mul3A_36 = arith.muli %scan3A_34, %mul3A_35 : i32
      %swap3A = arith.index_cast %mul3A_36 : i32 to index
      %swap3A_37 = tpu.vector_load %arg6[%swap3A] {strides = array<i32>} : memref<8192xi32, #tpu.memory_space<vmem>>, vector<16xi32>,
      tpu.vector_store %arg6[%swap3A], %broadcast_in_dim3A_3 {strides = array<i32>} : memref<8192xi32, #tpu.memory_space<vmem>>, vector<16xi32>,
      %mul3A_38 = arith.constant 16 : i32
      %mul3A_39 = arith.muli %scan3A_34, %mul3A_38 : i32
      %add3A_40 = vector.broadcast %mul3A_39 : i32 to vector<16xi32>
      %add3A_41 = arith.addi %add3A_40, %iota3A : vector<16xi32>
      %and3A = arith.constant 8191 : i32
      %and3A_42 = vector.broadcast %and3A : i32 to vector<16xi32>
      %and3A_43 = arith.andi %add3A_41, %and3A_42 : vector<16xi32>
      %shift_right_arithmetic3A = arith.constant 4 : i32
      %shift_right_arithmetic3A_44 = arith.shrsi %scan3A_34, %shift_right_arithmetic3A : i32
      %and3A_45 = arith.constant 15 : i32
      %and3A_46 = arith.andi %scan3A_34, %and3A_45 : i32
      %mul3A_47 = arith.constant 16 : i32
      %mul3A_48 = arith.muli %and3A_46, %mul3A_47 : i32
      %swap3A_49 = arith.index_cast %shift_right_arithmetic3A_44 : i32 to index
      %swap3A_50 = arith.index_cast %mul3A_48 : i32 to index
      %swap3A_51 = tpu.vector_load %arg8[%swap3A_49, %swap3A_50] {strides = array<i32>} : memref<32x256xi32, #tpu.memory_space<vmem>>, vector<16xi32>,
      tpu.vector_store %arg8[%swap3A_49, %swap3A_50], %and3A_43 {strides = array<i32>} : memref<32x256xi32, #tpu.memory_space<vmem>>, vector<16xi32>,
    }
    %scan3A_10 = arith.constant 512 : i32
    %scan3A_11 = arith.constant 0 : i32
    %scan3A_12 = arith.constant 0 : i32
    %scan3A_13 = arith.constant 1024 : i32
    %scan3A_14 = arith.addi %scan3A_12, %scan3A_13 : i32
    %scan3A_15 = arith.constant 1 : i32
    scf.for %scan3A_34 = %scan3A_12 to %scan3A_14 step %scan3A_15  : i32 {
      %shift_right_arithmetic3A = arith.constant 4 : i32
      %shift_right_arithmetic3A_35 = arith.shrsi %scan3A_34, %shift_right_arithmetic3A : i32
      %and3A = arith.constant 15 : i32
      %and3A_36 = arith.andi %scan3A_34, %and3A : i32
      %mul3A_37 = arith.constant 16 : i32
      %mul3A_38 = arith.muli %and3A_36, %mul3A_37 : i32
      %swap3A = arith.index_cast %shift_right_arithmetic3A_35 : i32 to index
      %swap3A_39 = arith.index_cast %mul3A_38 : i32 to index
      %swap3A_40 = tpu.vector_load %arg10[%swap3A, %swap3A_39] {strides = array<i32>} : memref<64x256xf32, #tpu.memory_space<vmem>>, vector<16xf32>,
      tpu.vector_store %arg10[%swap3A, %swap3A_39], %broadcast_in_dim3A_5 {strides = array<i32>} : memref<64x256xf32, #tpu.memory_space<vmem>>, vector<16xf32>,
    }
    %scan3A_16 = arith.constant 1024 : i32
    %scan3A_17 = arith.constant 0 : i32
    %scan3A_18 = arith.constant 0 : i32
    %scan3A_19 = arith.constant 0 : i32
    %scan3A_20 = arith.addi %scan3A_18, %scan3A_19 : i32
    %scan3A_21 = arith.constant 0 : i32
    %scan3A_22 = arith.constant 0 : i32
    %scan3A_23 = arith.constant 0 : i32
    %scan3A_24 = arith.constant 32 : i32
    %scan3A_25 = arith.addi %scan3A_23, %scan3A_24 : i32
    %scan3A_26 = arith.constant 1 : i32
    scf.for %scan3A_34 = %scan3A_23 to %scan3A_25 step %scan3A_26  : i32 {
      %broadcast_in_dim3A_35 = vector.broadcast %scan3A_34 : i32 to vector<16xi32>
      %scan3A_36 = arith.constant 0 : i32
      %scan3A_37 = arith.constant 0 : i32
      %scan3A_38 = arith.constant 16 : i32
      %scan3A_39 = arith.addi %scan3A_37, %scan3A_38 : i32
      %scan3A_40 = arith.constant 1 : i32
      %scan3A_41 = scf.for %scan3A_44 = %scan3A_37 to %scan3A_39 step %scan3A_40 iter_args(%scan3A_45 = %scan3A_36) -> (i32)  : i32 {
        %mul3A_46 = arith.constant 256 : i32
        %mul3A_47 = arith.muli %scan3A_34, %mul3A_46 : i32
        %mul3A_48 = arith.constant 16 : i32
        %mul3A_49 = arith.muli %scan3A_44, %mul3A_48 : i32
        %add3A_50 = arith.addi %mul3A_47, %mul3A_49 : i32
        %get3A = arith.index_cast %add3A_50 : i32 to index
        %get3A_51 = tpu.vector_load %arg6[%get3A] {strides = array<i32>} : memref<8192xi32, #tpu.memory_space<vmem>>, vector<16xi32>,
        %ge3A = arith.constant 0 : i32
        %ge3A_52 = vector.broadcast %ge3A : i32 to vector<16xi32>
        %ge3A_53 = arith.cmpi sge, %get3A_51, %ge3A_52 : vector<16xi32>
        %convert_element_type3A = arith.extui %ge3A_53 : vector<16xi1> to vector<16xi32>
        %broadcast_in_dim3A_54 = arith.constant true
        %broadcast_in_dim3A_55 = vector.broadcast %broadcast_in_dim3A_54 : i1 to vector<16xi1>
        %masked_cumsum3A = tpu.scan <sum>, %convert_element_type3A masked %broadcast_in_dim3A_55 : vector<16xi32>, vector<16xi1> -> vector<16xi32>
        %add3A_56 = vector.broadcast %scan3A_45 : i32 to vector<16xi32>
        %add3A_57 = arith.addi %add3A_56, %masked_cumsum3A : vector<16xi32>
        %sub3A = arith.constant 1 : i32
        %sub3A_58 = vector.broadcast %sub3A : i32 to vector<16xi32>
        %sub3A_59 = arith.subi %add3A_57, %sub3A_58 : vector<16xi32>
        %mul3A_60 = arith.constant 16 : i32
        %mul3A_61 = arith.muli %scan3A_44, %mul3A_60 : i32
        %add3A_62 = vector.broadcast %mul3A_61 : i32 to vector<16xi32>
        %add3A_63 = arith.addi %add3A_62, %iota3A : vector<16xi32>
        tpu.vector_store_idx %arg7[%broadcast_in_dim3A_35, %sub3A_59], %add3A_63 masked %ge3A_53 : memref<32x256xi32, #tpu.memory_space<vmem>>[vector<16xi32>, vector<16xi32>], vector<16xi32>, vector<16xi1>
        tpu.vector_store_idx %arg8[%broadcast_in_dim3A_35, %sub3A_59], %get3A_51 masked %ge3A_53 : memref<32x256xi32, #tpu.memory_space<vmem>>[vector<16xi32>, vector<16xi32>], vector<16xi32>, vector<16xi1>
        %reduce_sum3A = arith.constant true
        %reduce_sum3A_64 = vector.broadcast %reduce_sum3A : i1 to vector<16xi1>
        %reduce_sum3A_65 = tpu.scan <sum>, %convert_element_type3A masked %reduce_sum3A_64 : vector<16xi32>, vector<16xi1> -> vector<16xi32>
        %reduce_sum3A_66 = vector.extract %reduce_sum3A_65[15] : i32 from vector<16xi32>
        %add3A_67 = arith.addi %scan3A_45, %reduce_sum3A_66 : i32
        scf.yield %add3A_67 : i32
      }
      %scan3A_42 = arith.constant 16 : i32
      %swap3A = arith.index_cast %scan3A_34 : i32 to index
      %swap3A_43 = memref.load %arg11[%swap3A] : memref<32xi32, #tpu.memory_space<smem>>
      memref.store %scan3A_41, %arg11[%swap3A] : memref<32xi32, #tpu.memory_space<smem>>
    }
    %scan3A_27 = arith.constant 32 : i32
    %scan3A_28 = arith.constant 0 : i32
    %scan3A_29 = arith.constant 0 : i32
    %scan3A_30 = arith.constant 32 : i32
    %scan3A_31 = arith.addi %scan3A_29, %scan3A_30 : i32
    %scan3A_32 = arith.constant 1 : i32
    scf.for %scan3A_34 = %scan3A_29 to %scan3A_31 step %scan3A_32  : i32 {
      %get3A = arith.index_cast %scan3A_34 : i32 to index
      %get3A_35 = memref.load %arg11[%get3A] : memref<32xi32, #tpu.memory_space<smem>>
      %mul3A_36 = arith.constant 256 : i32
      %mul3A_37 = arith.muli %scan3A_34, %mul3A_36 : i32
      %add3A_38 = arith.addi %mul3A_2, %mul3A_37 : i32
      %multiple_of3A = tpu.assume_multiple %add3A_38, 256 : i32
      %gt3A = arith.constant 0 : i32
      %gt3A_39 = arith.cmpi sgt, %get3A_35, %gt3A : i32
      %convert_element_type3A = arith.extui %gt3A_39 : i1 to i32
      %cond3A = arith.constant 0 : i32
      %cond3A_40 = arith.cmpi ne, %convert_element_type3A, %cond3A : i32
      scf.if %cond3A_40 {
        %dma_start3A = arith.constant 0 : i32
        %dma_start3A_97 = arith.constant 0 : i32
        %dma_start3A_98 = tpu.memref_slice %arg9[%dma_start3A, %dma_start3A_97] : memref<256x64xf32, #tpu.memory_space<vmem>> -> memref<64x64xf32, #tpu.memory_space<vmem>>
        %dma_start3A_99 = arith.constant 0 : i32
        %dma_start3A_100 = tpu.memref_slice %arg8[%scan3A_34, %dma_start3A_99] : memref<32x256xi32, #tpu.memory_space<vmem>> -> memref<1x64xi32, #tpu.memory_space<vmem>>
        %dma_start3A_101 = tpu.memref_squeeze %dma_start3A_100 : memref<1x64xi32, #tpu.memory_space<vmem>> -> memref<64xi32, #tpu.memory_space<vmem>>
        %dma_start3A_102 = arith.constant 0 : i32
        %dma_start3A_103 = arith.constant 0 : i32
        %dma_start3A_104 = tpu.memref_slice %arg2[%dma_start3A_102, %dma_start3A_103] : memref<30000x64xf32, #tpu.memory_space<hbm>> -> memref<30000x64xf32, #tpu.memory_space<hbm>>
        tpu.enqueue_indirect_dma source(%dma_start3A_104 : memref<30000x64xf32, #tpu.memory_space<hbm>>) target(%dma_start3A_98 : memref<64x64xf32, #tpu.memory_space<vmem>>) offsets(%dma_start3A_101 : memref<64xi32, #tpu.memory_space<vmem>>) semaphore(%arg12 : memref<!tpu.dma_semaphore, #tpu.memory_space<semaphore_mem>>)
        %dma_wait3A = arith.constant 0 : i32
        %dma_wait3A_105 = arith.constant 0 : i32
        %dma_wait3A_106 = tpu.memref_slice %arg9[%dma_wait3A, %dma_wait3A_105] : memref<256x64xf32, #tpu.memory_space<vmem>> -> memref<64x64xf32, #tpu.memory_space<vmem>>
        %dma_wait3A_107 = arith.constant 0 : i32
        %dma_wait3A_108 = tpu.memref_slice %arg8[%scan3A_34, %dma_wait3A_107] : memref<32x256xi32, #tpu.memory_space<vmem>> -> memref<1x64xi32, #tpu.memory_space<vmem>>
        %dma_wait3A_109 = tpu.memref_squeeze %dma_wait3A_108 : memref<1x64xi32, #tpu.memory_space<vmem>> -> memref<64xi32, #tpu.memory_space<vmem>>
        %dma_wait3A_110 = arith.constant 0 : i32
        %dma_wait3A_111 = arith.constant 0 : i32
        %dma_wait3A_112 = tpu.memref_slice %arg2[%dma_wait3A_110, %dma_wait3A_111] : memref<30000x64xf32, #tpu.memory_space<hbm>> -> memref<30000x64xf32, #tpu.memory_space<hbm>>
        tpu.wait_indirect_dma semaphore(%arg12 : memref<!tpu.dma_semaphore, #tpu.memory_space<semaphore_mem>>) src(%dma_wait3A_112 : memref<30000x64xf32, #tpu.memory_space<hbm>>) dst(%dma_wait3A_106 : memref<64x64xf32, #tpu.memory_space<vmem>>)
      } else {
      }
      %gt3A_41 = arith.constant 64 : i32
      %gt3A_42 = arith.cmpi sgt, %get3A_35, %gt3A_41 : i32
      %convert_element_type3A_43 = arith.extui %gt3A_42 : i1 to i32
      %cond3A_44 = arith.constant 0 : i32
      %cond3A_45 = arith.cmpi ne, %convert_element_type3A_43, %cond3A_44 : i32
      scf.if %cond3A_45 {
        %dma_start3A = arith.constant 64 : i32
        %dma_start3A_97 = arith.constant 0 : i32
        %dma_start3A_98 = tpu.memref_slice %arg9[%dma_start3A, %dma_start3A_97] : memref<256x64xf32, #tpu.memory_space<vmem>> -> memref<64x64xf32, #tpu.memory_space<vmem>>
        %dma_start3A_99 = arith.constant 64 : i32
        %dma_start3A_100 = tpu.memref_slice %arg8[%scan3A_34, %dma_start3A_99] : memref<32x256xi32, #tpu.memory_space<vmem>> -> memref<1x64xi32, #tpu.memory_space<vmem>>
        %dma_start3A_101 = tpu.memref_squeeze %dma_start3A_100 : memref<1x64xi32, #tpu.memory_space<vmem>> -> memref<64xi32, #tpu.memory_space<vmem>>
        %dma_start3A_102 = arith.constant 0 : i32
        %dma_start3A_103 = arith.constant 0 : i32
        %dma_start3A_104 = tpu.memref_slice %arg2[%dma_start3A_102, %dma_start3A_103] : memref<30000x64xf32, #tpu.memory_space<hbm>> -> memref<30000x64xf32, #tpu.memory_space<hbm>>
        tpu.enqueue_indirect_dma source(%dma_start3A_104 : memref<30000x64xf32, #tpu.memory_space<hbm>>) target(%dma_start3A_98 : memref<64x64xf32, #tpu.memory_space<vmem>>) offsets(%dma_start3A_101 : memref<64xi32, #tpu.memory_space<vmem>>) semaphore(%arg12 : memref<!tpu.dma_semaphore, #tpu.memory_space<semaphore_mem>>)
        %dma_wait3A = arith.constant 64 : i32
        %dma_wait3A_105 = arith.constant 0 : i32
        %dma_wait3A_106 = tpu.memref_slice %arg9[%dma_wait3A, %dma_wait3A_105] : memref<256x64xf32, #tpu.memory_space<vmem>> -> memref<64x64xf32, #tpu.memory_space<vmem>>
        %dma_wait3A_107 = arith.constant 64 : i32
        %dma_wait3A_108 = tpu.memref_slice %arg8[%scan3A_34, %dma_wait3A_107] : memref<32x256xi32, #tpu.memory_space<vmem>> -> memref<1x64xi32, #tpu.memory_space<vmem>>
        %dma_wait3A_109 = tpu.memref_squeeze %dma_wait3A_108 : memref<1x64xi32, #tpu.memory_space<vmem>> -> memref<64xi32, #tpu.memory_space<vmem>>
        %dma_wait3A_110 = arith.constant 0 : i32
        %dma_wait3A_111 = arith.constant 0 : i32
        %dma_wait3A_112 = tpu.memref_slice %arg2[%dma_wait3A_110, %dma_wait3A_111] : memref<30000x64xf32, #tpu.memory_space<hbm>> -> memref<30000x64xf32, #tpu.memory_space<hbm>>
        tpu.wait_indirect_dma semaphore(%arg12 : memref<!tpu.dma_semaphore, #tpu.memory_space<semaphore_mem>>) src(%dma_wait3A_112 : memref<30000x64xf32, #tpu.memory_space<hbm>>) dst(%dma_wait3A_106 : memref<64x64xf32, #tpu.memory_space<vmem>>)
      } else {
      }
      %gt3A_46 = arith.constant 128 : i32
      %gt3A_47 = arith.cmpi sgt, %get3A_35, %gt3A_46 : i32
      %convert_element_type3A_48 = arith.extui %gt3A_47 : i1 to i32
      %cond3A_49 = arith.constant 0 : i32
      %cond3A_50 = arith.cmpi ne, %convert_element_type3A_48, %cond3A_49 : i32
      scf.if %cond3A_50 {
        %dma_start3A = arith.constant 128 : i32
        %dma_start3A_97 = arith.constant 0 : i32
        %dma_start3A_98 = tpu.memref_slice %arg9[%dma_start3A, %dma_start3A_97] : memref<256x64xf32, #tpu.memory_space<vmem>> -> memref<64x64xf32, #tpu.memory_space<vmem>>
        %dma_start3A_99 = arith.constant 128 : i32
        %dma_start3A_100 = tpu.memref_slice %arg8[%scan3A_34, %dma_start3A_99] : memref<32x256xi32, #tpu.memory_space<vmem>> -> memref<1x64xi32, #tpu.memory_space<vmem>>
        %dma_start3A_101 = tpu.memref_squeeze %dma_start3A_100 : memref<1x64xi32, #tpu.memory_space<vmem>> -> memref<64xi32, #tpu.memory_space<vmem>>
        %dma_start3A_102 = arith.constant 0 : i32
        %dma_start3A_103 = arith.constant 0 : i32
        %dma_start3A_104 = tpu.memref_slice %arg2[%dma_start3A_102, %dma_start3A_103] : memref<30000x64xf32, #tpu.memory_space<hbm>> -> memref<30000x64xf32, #tpu.memory_space<hbm>>
        tpu.enqueue_indirect_dma source(%dma_start3A_104 : memref<30000x64xf32, #tpu.memory_space<hbm>>) target(%dma_start3A_98 : memref<64x64xf32, #tpu.memory_space<vmem>>) offsets(%dma_start3A_101 : memref<64xi32, #tpu.memory_space<vmem>>) semaphore(%arg12 : memref<!tpu.dma_semaphore, #tpu.memory_space<semaphore_mem>>)
        %dma_wait3A = arith.constant 128 : i32
        %dma_wait3A_105 = arith.constant 0 : i32
        %dma_wait3A_106 = tpu.memref_slice %arg9[%dma_wait3A, %dma_wait3A_105] : memref<256x64xf32, #tpu.memory_space<vmem>> -> memref<64x64xf32, #tpu.memory_space<vmem>>
        %dma_wait3A_107 = arith.constant 128 : i32
        %dma_wait3A_108 = tpu.memref_slice %arg8[%scan3A_34, %dma_wait3A_107] : memref<32x256xi32, #tpu.memory_space<vmem>> -> memref<1x64xi32, #tpu.memory_space<vmem>>
        %dma_wait3A_109 = tpu.memref_squeeze %dma_wait3A_108 : memref<1x64xi32, #tpu.memory_space<vmem>> -> memref<64xi32, #tpu.memory_space<vmem>>
        %dma_wait3A_110 = arith.constant 0 : i32
        %dma_wait3A_111 = arith.constant 0 : i32
        %dma_wait3A_112 = tpu.memref_slice %arg2[%dma_wait3A_110, %dma_wait3A_111] : memref<30000x64xf32, #tpu.memory_space<hbm>> -> memref<30000x64xf32, #tpu.memory_space<hbm>>
        tpu.wait_indirect_dma semaphore(%arg12 : memref<!tpu.dma_semaphore, #tpu.memory_space<semaphore_mem>>) src(%dma_wait3A_112 : memref<30000x64xf32, #tpu.memory_space<hbm>>) dst(%dma_wait3A_106 : memref<64x64xf32, #tpu.memory_space<vmem>>)
      } else {
      }
      %gt3A_51 = arith.constant 192 : i32
      %gt3A_52 = arith.cmpi sgt, %get3A_35, %gt3A_51 : i32
      %convert_element_type3A_53 = arith.extui %gt3A_52 : i1 to i32
      %cond3A_54 = arith.constant 0 : i32
      %cond3A_55 = arith.cmpi ne, %convert_element_type3A_53, %cond3A_54 : i32
      scf.if %cond3A_55 {
        %dma_start3A = arith.constant 192 : i32
        %dma_start3A_97 = arith.constant 0 : i32
        %dma_start3A_98 = tpu.memref_slice %arg9[%dma_start3A, %dma_start3A_97] : memref<256x64xf32, #tpu.memory_space<vmem>> -> memref<64x64xf32, #tpu.memory_space<vmem>>
        %dma_start3A_99 = arith.constant 192 : i32
        %dma_start3A_100 = tpu.memref_slice %arg8[%scan3A_34, %dma_start3A_99] : memref<32x256xi32, #tpu.memory_space<vmem>> -> memref<1x64xi32, #tpu.memory_space<vmem>>
        %dma_start3A_101 = tpu.memref_squeeze %dma_start3A_100 : memref<1x64xi32, #tpu.memory_space<vmem>> -> memref<64xi32, #tpu.memory_space<vmem>>
        %dma_start3A_102 = arith.constant 0 : i32
        %dma_start3A_103 = arith.constant 0 : i32
        %dma_start3A_104 = tpu.memref_slice %arg2[%dma_start3A_102, %dma_start3A_103] : memref<30000x64xf32, #tpu.memory_space<hbm>> -> memref<30000x64xf32, #tpu.memory_space<hbm>>
        tpu.enqueue_indirect_dma source(%dma_start3A_104 : memref<30000x64xf32, #tpu.memory_space<hbm>>) target(%dma_start3A_98 : memref<64x64xf32, #tpu.memory_space<vmem>>) offsets(%dma_start3A_101 : memref<64xi32, #tpu.memory_space<vmem>>) semaphore(%arg12 : memref<!tpu.dma_semaphore, #tpu.memory_space<semaphore_mem>>)
        %dma_wait3A = arith.constant 192 : i32
        %dma_wait3A_105 = arith.constant 0 : i32
        %dma_wait3A_106 = tpu.memref_slice %arg9[%dma_wait3A, %dma_wait3A_105] : memref<256x64xf32, #tpu.memory_space<vmem>> -> memref<64x64xf32, #tpu.memory_space<vmem>>
        %dma_wait3A_107 = arith.constant 192 : i32
        %dma_wait3A_108 = tpu.memref_slice %arg8[%scan3A_34, %dma_wait3A_107] : memref<32x256xi32, #tpu.memory_space<vmem>> -> memref<1x64xi32, #tpu.memory_space<vmem>>
        %dma_wait3A_109 = tpu.memref_squeeze %dma_wait3A_108 : memref<1x64xi32, #tpu.memory_space<vmem>> -> memref<64xi32, #tpu.memory_space<vmem>>
        %dma_wait3A_110 = arith.constant 0 : i32
        %dma_wait3A_111 = arith.constant 0 : i32
        %dma_wait3A_112 = tpu.memref_slice %arg2[%dma_wait3A_110, %dma_wait3A_111] : memref<30000x64xf32, #tpu.memory_space<hbm>> -> memref<30000x64xf32, #tpu.memory_space<hbm>>
        tpu.wait_indirect_dma semaphore(%arg12 : memref<!tpu.dma_semaphore, #tpu.memory_space<semaphore_mem>>) src(%dma_wait3A_112 : memref<30000x64xf32, #tpu.memory_space<hbm>>) dst(%dma_wait3A_106 : memref<64x64xf32, #tpu.memory_space<vmem>>)
      } else {
      }
      %add3A_56 = arith.constant 15 : i32
      %add3A_57 = arith.addi %get3A_35, %add3A_56 : i32
      %jit3A = arith.constant 16 : i32
      %div3A = arith.divsi %add3A_57, %jit3A : i32
      %sign3A = arith.constant 0 : i32
      %sign3A_58 = arith.cmpi sgt, %add3A_57, %sign3A : i32
      %sign3A_59 = arith.extui %sign3A_58 : i1 to i32
      %sign3A_60 = arith.constant 0 : i32
      %sign3A_61 = arith.cmpi slt, %add3A_57, %sign3A_60 : i32
      %sign3A_62 = arith.extui %sign3A_61 : i1 to i32
      %sign3A_63 = arith.subi %sign3A_59, %sign3A_62 : i32
      %sign3A_64 = arith.constant 0 : i32
      %sign3A_65 = arith.cmpi sgt, %jit3A, %sign3A_64 : i32
      %sign3A_66 = arith.extui %sign3A_65 : i1 to i32
      %sign3A_67 = arith.constant 0 : i32
      %sign3A_68 = arith.cmpi slt, %jit3A, %sign3A_67 : i32
      %sign3A_69 = arith.extui %sign3A_68 : i1 to i32
      %sign3A_70 = arith.subi %sign3A_66, %sign3A_69 : i32
      %ne3A = arith.cmpi ne, %sign3A_63, %sign3A_70 : i32
      %rem3A = arith.remsi %add3A_57, %jit3A : i32
      %ne3A_71 = arith.constant 0 : i32
      %ne3A_72 = arith.cmpi ne, %rem3A, %ne3A_71 : i32
      %and3A = arith.andi %ne3A, %ne3A_72 : i1
      %sub3A = arith.constant 1 : i32
      %sub3A_73 = arith.subi %div3A, %sub3A : i32
      %select_n3A = arith.select %and3A, %sub3A_73, %div3A : i32
      %while3A = arith.constant 0 : i32
      %while3A_74 = arith.constant 0 : i32
      %while3A_75 = arith.subi %select_n3A, %while3A_74 : i32
      %while3A_76 = arith.addi %while3A_74, %while3A_75 : i32
      %while3A_77 = arith.constant 1 : i32
      %while3A_78 = arith.divsi %while3A_75, %while3A_77 : i32
      %while3A_79 = arith.muli %while3A_78, %while3A_77 : i32
      %while3A_80 = arith.addi %while3A_74, %while3A_79 : i32
      %while3A_81 = arith.constant 1 : i32
      scf.for %while3A_97 = %while3A_74 to %while3A_80 step %while3A_81  : i32 {
        %mul3A_98 = arith.constant 16 : i32
        %mul3A_99 = arith.muli %while3A_97, %mul3A_98 : i32
        %add3A_100 = vector.broadcast %mul3A_99 : i32 to vector<16xi32>
        %add3A_101 = arith.addi %add3A_100, %iota3A : vector<16xi32>
        %lt3A = vector.broadcast %get3A_35 : i32 to vector<16xi32>
        %lt3A_102 = arith.cmpi slt, %add3A_101, %lt3A : vector<16xi32>
        %mul3A_103 = arith.constant 16 : i32
        %mul3A_104 = arith.muli %while3A_97, %mul3A_103 : i32
        %get3A_105 = arith.index_cast %scan3A_34 : i32 to index
        %get3A_106 = arith.index_cast %mul3A_104 : i32 to index
        %get3A_107 = tpu.vector_load %arg7[%get3A_105, %get3A_106] {strides = array<i32>} : memref<32x256xi32, #tpu.memory_space<vmem>>, vector<16xi32>,
        %broadcast_in_dim3A_108 = arith.constant 0 : i32
        %broadcast_in_dim3A_109 = vector.broadcast %broadcast_in_dim3A_108 : i32 to vector<16xi32>
        %gather3A = tpu.vector_load_idx %arg9[%add3A_101, %broadcast_in_dim3A_109] masked %lt3A_102 : memref<256x64xf32, #tpu.memory_space<vmem>>[vector<16xi32>, vector<16xi32>], vector<16xf32>, vector<16xi1>
        tpu.vector_store_idx %arg10[%broadcast_in_dim3A_109, %get3A_107], %gather3A masked %lt3A_102 : memref<64x256xf32, #tpu.memory_space<vmem>>[vector<16xi32>, vector<16xi32>], vector<16xf32>, vector<16xi1>
        %broadcast_in_dim3A_110 = arith.constant 1 : i32
        %broadcast_in_dim3A_111 = vector.broadcast %broadcast_in_dim3A_110 : i32 to vector<16xi32>
        %gather3A_112 = tpu.vector_load_idx %arg9[%add3A_101, %broadcast_in_dim3A_111] masked %lt3A_102 : memref<256x64xf32, #tpu.memory_space<vmem>>[vector<16xi32>, vector<16xi32>], vector<16xf32>, vector<16xi1>
        tpu.vector_store_idx %arg10[%broadcast_in_dim3A_111, %get3A_107], %gather3A_112 masked %lt3A_102 : memref<64x256xf32, #tpu.memory_space<vmem>>[vector<16xi32>, vector<16xi32>], vector<16xf32>, vector<16xi1>
        %broadcast_in_dim3A_113 = arith.constant 2 : i32
        %broadcast_in_dim3A_114 = vector.broadcast %broadcast_in_dim3A_113 : i32 to vector<16xi32>
        %gather3A_115 = tpu.vector_load_idx %arg9[%add3A_101, %broadcast_in_dim3A_114] masked %lt3A_102 : memref<256x64xf32, #tpu.memory_space<vmem>>[vector<16xi32>, vector<16xi32>], vector<16xf32>, vector<16xi1>
        tpu.vector_store_idx %arg10[%broadcast_in_dim3A_114, %get3A_107], %gather3A_115 masked %lt3A_102 : memref<64x256xf32, #tpu.memory_space<vmem>>[vector<16xi32>, vector<16xi32>], vector<16xf32>, vector<16xi1>
        %broadcast_in_dim3A_116 = arith.constant 3 : i32
        %broadcast_in_dim3A_117 = vector.broadcast %broadcast_in_dim3A_116 : i32 to vector<16xi32>
        %gather3A_118 = tpu.vector_load_idx %arg9[%add3A_101, %broadcast_in_dim3A_117] masked %lt3A_102 : memref<256x64xf32, #tpu.memory_space<vmem>>[vector<16xi32>, vector<16xi32>], vector<16xf32>, vector<16xi1>
        tpu.vector_store_idx %arg10[%broadcast_in_dim3A_117, %get3A_107], %gather3A_118 masked %lt3A_102 : memref<64x256xf32, #tpu.memory_space<vmem>>[vector<16xi32>, vector<16xi32>], vector<16xf32>, vector<16xi1>
        %broadcast_in_dim3A_119 = arith.constant 4 : i32
        %broadcast_in_dim3A_120 = vector.broadcast %broadcast_in_dim3A_119 : i32 to vector<16xi32>
        %gather3A_121 = tpu.vector_load_idx %arg9[%add3A_101, %broadcast_in_dim3A_120] masked %lt3A_102 : memref<256x64xf32, #tpu.memory_space<vmem>>[vector<16xi32>, vector<16xi32>], vector<16xf32>, vector<16xi1>
        tpu.vector_store_idx %arg10[%broadcast_in_dim3A_120, %get3A_107], %gather3A_121 masked %lt3A_102 : memref<64x256xf32, #tpu.memory_space<vmem>>[vector<16xi32>, vector<16xi32>], vector<16xf32>, vector<16xi1>
        %broadcast_in_dim3A_122 = arith.constant 5 : i32
        %broadcast_in_dim3A_123 = vector.broadcast %broadcast_in_dim3A_122 : i32 to vector<16xi32>
        %gather3A_124 = tpu.vector_load_idx %arg9[%add3A_101, %broadcast_in_dim3A_123] masked %lt3A_102 : memref<256x64xf32, #tpu.memory_space<vmem>>[vector<16xi32>, vector<16xi32>], vector<16xf32>, vector<16xi1>
        tpu.vector_store_idx %arg10[%broadcast_in_dim3A_123, %get3A_107], %gather3A_124 masked %lt3A_102 : memref<64x256xf32, #tpu.memory_space<vmem>>[vector<16xi32>, vector<16xi32>], vector<16xf32>, vector<16xi1>
        %broadcast_in_dim3A_125 = arith.constant 6 : i32
        %broadcast_in_dim3A_126 = vector.broadcast %broadcast_in_dim3A_125 : i32 to vector<16xi32>
        %gather3A_127 = tpu.vector_load_idx %arg9[%add3A_101, %broadcast_in_dim3A_126] masked %lt3A_102 : memref<256x64xf32, #tpu.memory_space<vmem>>[vector<16xi32>, vector<16xi32>], vector<16xf32>, vector<16xi1>
        tpu.vector_store_idx %arg10[%broadcast_in_dim3A_126, %get3A_107], %gather3A_127 masked %lt3A_102 : memref<64x256xf32, #tpu.memory_space<vmem>>[vector<16xi32>, vector<16xi32>], vector<16xf32>, vector<16xi1>
        %broadcast_in_dim3A_128 = arith.constant 7 : i32
        %broadcast_in_dim3A_129 = vector.broadcast %broadcast_in_dim3A_128 : i32 to vector<16xi32>
        %gather3A_130 = tpu.vector_load_idx %arg9[%add3A_101, %broadcast_in_dim3A_129] masked %lt3A_102 : memref<256x64xf32, #tpu.memory_space<vmem>>[vector<16xi32>, vector<16xi32>], vector<16xf32>, vector<16xi1>
        tpu.vector_store_idx %arg10[%broadcast_in_dim3A_129, %get3A_107], %gather3A_130 masked %lt3A_102 : memref<64x256xf32, #tpu.memory_space<vmem>>[vector<16xi32>, vector<16xi32>], vector<16xf32>, vector<16xi1>
        %broadcast_in_dim3A_131 = arith.constant 8 : i32
        %broadcast_in_dim3A_132 = vector.broadcast %broadcast_in_dim3A_131 : i32 to vector<16xi32>
        %gather3A_133 = tpu.vector_load_idx %arg9[%add3A_101, %broadcast_in_dim3A_132] masked %lt3A_102 : memref<256x64xf32, #tpu.memory_space<vmem>>[vector<16xi32>, vector<16xi32>], vector<16xf32>, vector<16xi1>
        tpu.vector_store_idx %arg10[%broadcast_in_dim3A_132, %get3A_107], %gather3A_133 masked %lt3A_102 : memref<64x256xf32, #tpu.memory_space<vmem>>[vector<16xi32>, vector<16xi32>], vector<16xf32>, vector<16xi1>
        %broadcast_in_dim3A_134 = arith.constant 9 : i32
        %broadcast_in_dim3A_135 = vector.broadcast %broadcast_in_dim3A_134 : i32 to vector<16xi32>
        %gather3A_136 = tpu.vector_load_idx %arg9[%add3A_101, %broadcast_in_dim3A_135] masked %lt3A_102 : memref<256x64xf32, #tpu.memory_space<vmem>>[vector<16xi32>, vector<16xi32>], vector<16xf32>, vector<16xi1>
        tpu.vector_store_idx %arg10[%broadcast_in_dim3A_135, %get3A_107], %gather3A_136 masked %lt3A_102 : memref<64x256xf32, #tpu.memory_space<vmem>>[vector<16xi32>, vector<16xi32>], vector<16xf32>, vector<16xi1>
        %broadcast_in_dim3A_137 = arith.constant 10 : i32
        %broadcast_in_dim3A_138 = vector.broadcast %broadcast_in_dim3A_137 : i32 to vector<16xi32>
        %gather3A_139 = tpu.vector_load_idx %arg9[%add3A_101, %broadcast_in_dim3A_138] masked %lt3A_102 : memref<256x64xf32, #tpu.memory_space<vmem>>[vector<16xi32>, vector<16xi32>], vector<16xf32>, vector<16xi1>
        tpu.vector_store_idx %arg10[%broadcast_in_dim3A_138, %get3A_107], %gather3A_139 masked %lt3A_102 : memref<64x256xf32, #tpu.memory_space<vmem>>[vector<16xi32>, vector<16xi32>], vector<16xf32>, vector<16xi1>
        %broadcast_in_dim3A_140 = arith.constant 11 : i32
        %broadcast_in_dim3A_141 = vector.broadcast %broadcast_in_dim3A_140 : i32 to vector<16xi32>
        %gather3A_142 = tpu.vector_load_idx %arg9[%add3A_101, %broadcast_in_dim3A_141] masked %lt3A_102 : memref<256x64xf32, #tpu.memory_space<vmem>>[vector<16xi32>, vector<16xi32>], vector<16xf32>, vector<16xi1>
        tpu.vector_store_idx %arg10[%broadcast_in_dim3A_141, %get3A_107], %gather3A_142 masked %lt3A_102 : memref<64x256xf32, #tpu.memory_space<vmem>>[vector<16xi32>, vector<16xi32>], vector<16xf32>, vector<16xi1>
        %broadcast_in_dim3A_143 = arith.constant 12 : i32
        %broadcast_in_dim3A_144 = vector.broadcast %broadcast_in_dim3A_143 : i32 to vector<16xi32>
        %gather3A_145 = tpu.vector_load_idx %arg9[%add3A_101, %broadcast_in_dim3A_144] masked %lt3A_102 : memref<256x64xf32, #tpu.memory_space<vmem>>[vector<16xi32>, vector<16xi32>], vector<16xf32>, vector<16xi1>
        tpu.vector_store_idx %arg10[%broadcast_in_dim3A_144, %get3A_107], %gather3A_145 masked %lt3A_102 : memref<64x256xf32, #tpu.memory_space<vmem>>[vector<16xi32>, vector<16xi32>], vector<16xf32>, vector<16xi1>
        %broadcast_in_dim3A_146 = arith.constant 13 : i32
        %broadcast_in_dim3A_147 = vector.broadcast %broadcast_in_dim3A_146 : i32 to vector<16xi32>
        %gather3A_148 = tpu.vector_load_idx %arg9[%add3A_101, %broadcast_in_dim3A_147] masked %lt3A_102 : memref<256x64xf32, #tpu.memory_space<vmem>>[vector<16xi32>, vector<16xi32>], vector<16xf32>, vector<16xi1>
        tpu.vector_store_idx %arg10[%broadcast_in_dim3A_147, %get3A_107], %gather3A_148 masked %lt3A_102 : memref<64x256xf32, #tpu.memory_space<vmem>>[vector<16xi32>, vector<16xi32>], vector<16xf32>, vector<16xi1>
        %broadcast_in_dim3A_149 = arith.constant 14 : i32
        %broadcast_in_dim3A_150 = vector.broadcast %broadcast_in_dim3A_149 : i32 to vector<16xi32>
        %gather3A_151 = tpu.vector_load_idx %arg9[%add3A_101, %broadcast_in_dim3A_150] masked %lt3A_102 : memref<256x64xf32, #tpu.memory_space<vmem>>[vector<16xi32>, vector<16xi32>], vector<16xf32>, vector<16xi1>
        tpu.vector_store_idx %arg10[%broadcast_in_dim3A_150, %get3A_107], %gather3A_151 masked %lt3A_102 : memref<64x256xf32, #tpu.memory_space<vmem>>[vector<16xi32>, vector<16xi32>], vector<16xf32>, vector<16xi1>
        %broadcast_in_dim3A_152 = arith.constant 15 : i32
        %broadcast_in_dim3A_153 = vector.broadcast %broadcast_in_dim3A_152 : i32 to vector<16xi32>
        %gather3A_154 = tpu.vector_load_idx %arg9[%add3A_101, %broadcast_in_dim3A_153] masked %lt3A_102 : memref<256x64xf32, #tpu.memory_space<vmem>>[vector<16xi32>, vector<16xi32>], vector<16xf32>, vector<16xi1>
        tpu.vector_store_idx %arg10[%broadcast_in_dim3A_153, %get3A_107], %gather3A_154 masked %lt3A_102 : memref<64x256xf32, #tpu.memory_space<vmem>>[vector<16xi32>, vector<16xi32>], vector<16xf32>, vector<16xi1>
        %broadcast_in_dim3A_155 = arith.constant 16 : i32
        %broadcast_in_dim3A_156 = vector.broadcast %broadcast_in_dim3A_155 : i32 to vector<16xi32>
        %gather3A_157 = tpu.vector_load_idx %arg9[%add3A_101, %broadcast_in_dim3A_156] masked %lt3A_102 : memref<256x64xf32, #tpu.memory_space<vmem>>[vector<16xi32>, vector<16xi32>], vector<16xf32>, vector<16xi1>
        tpu.vector_store_idx %arg10[%broadcast_in_dim3A_156, %get3A_107], %gather3A_157 masked %lt3A_102 : memref<64x256xf32, #tpu.memory_space<vmem>>[vector<16xi32>, vector<16xi32>], vector<16xf32>, vector<16xi1>
        %broadcast_in_dim3A_158 = arith.constant 17 : i32
        %broadcast_in_dim3A_159 = vector.broadcast %broadcast_in_dim3A_158 : i32 to vector<16xi32>
        %gather3A_160 = tpu.vector_load_idx %arg9[%add3A_101, %broadcast_in_dim3A_159] masked %lt3A_102 : memref<256x64xf32, #tpu.memory_space<vmem>>[vector<16xi32>, vector<16xi32>], vector<16xf32>, vector<16xi1>
        tpu.vector_store_idx %arg10[%broadcast_in_dim3A_159, %get3A_107], %gather3A_160 masked %lt3A_102 : memref<64x256xf32, #tpu.memory_space<vmem>>[vector<16xi32>, vector<16xi32>], vector<16xf32>, vector<16xi1>
        %broadcast_in_dim3A_161 = arith.constant 18 : i32
        %broadcast_in_dim3A_162 = vector.broadcast %broadcast_in_dim3A_161 : i32 to vector<16xi32>
        %gather3A_163 = tpu.vector_load_idx %arg9[%add3A_101, %broadcast_in_dim3A_162] masked %lt3A_102 : memref<256x64xf32, #tpu.memory_space<vmem>>[vector<16xi32>, vector<16xi32>], vector<16xf32>, vector<16xi1>
        tpu.vector_store_idx %arg10[%broadcast_in_dim3A_162, %get3A_107], %gather3A_163 masked %lt3A_102 : memref<64x256xf32, #tpu.memory_space<vmem>>[vector<16xi32>, vector<16xi32>], vector<16xf32>, vector<16xi1>
        %broadcast_in_dim3A_164 = arith.constant 19 : i32
        %broadcast_in_dim3A_165 = vector.broadcast %broadcast_in_dim3A_164 : i32 to vector<16xi32>
        %gather3A_166 = tpu.vector_load_idx %arg9[%add3A_101, %broadcast_in_dim3A_165] masked %lt3A_102 : memref<256x64xf32, #tpu.memory_space<vmem>>[vector<16xi32>, vector<16xi32>], vector<16xf32>, vector<16xi1>
        tpu.vector_store_idx %arg10[%broadcast_in_dim3A_165, %get3A_107], %gather3A_166 masked %lt3A_102 : memref<64x256xf32, #tpu.memory_space<vmem>>[vector<16xi32>, vector<16xi32>], vector<16xf32>, vector<16xi1>
        %broadcast_in_dim3A_167 = arith.constant 20 : i32
        %broadcast_in_dim3A_168 = vector.broadcast %broadcast_in_dim3A_167 : i32 to vector<16xi32>
        %gather3A_169 = tpu.vector_load_idx %arg9[%add3A_101, %broadcast_in_dim3A_168] masked %lt3A_102 : memref<256x64xf32, #tpu.memory_space<vmem>>[vector<16xi32>, vector<16xi32>], vector<16xf32>, vector<16xi1>
        tpu.vector_store_idx %arg10[%broadcast_in_dim3A_168, %get3A_107], %gather3A_169 masked %lt3A_102 : memref<64x256xf32, #tpu.memory_space<vmem>>[vector<16xi32>, vector<16xi32>], vector<16xf32>, vector<16xi1>
        %broadcast_in_dim3A_170 = arith.constant 21 : i32
        %broadcast_in_dim3A_171 = vector.broadcast %broadcast_in_dim3A_170 : i32 to vector<16xi32>
        %gather3A_172 = tpu.vector_load_idx %arg9[%add3A_101, %broadcast_in_dim3A_171] masked %lt3A_102 : memref<256x64xf32, #tpu.memory_space<vmem>>[vector<16xi32>, vector<16xi32>], vector<16xf32>, vector<16xi1>
        tpu.vector_store_idx %arg10[%broadcast_in_dim3A_171, %get3A_107], %gather3A_172 masked %lt3A_102 : memref<64x256xf32, #tpu.memory_space<vmem>>[vector<16xi32>, vector<16xi32>], vector<16xf32>, vector<16xi1>
        %broadcast_in_dim3A_173 = arith.constant 22 : i32
        %broadcast_in_dim3A_174 = vector.broadcast %broadcast_in_dim3A_173 : i32 to vector<16xi32>
        %gather3A_175 = tpu.vector_load_idx %arg9[%add3A_101, %broadcast_in_dim3A_174] masked %lt3A_102 : memref<256x64xf32, #tpu.memory_space<vmem>>[vector<16xi32>, vector<16xi32>], vector<16xf32>, vector<16xi1>
        tpu.vector_store_idx %arg10[%broadcast_in_dim3A_174, %get3A_107], %gather3A_175 masked %lt3A_102 : memref<64x256xf32, #tpu.memory_space<vmem>>[vector<16xi32>, vector<16xi32>], vector<16xf32>, vector<16xi1>
        %broadcast_in_dim3A_176 = arith.constant 23 : i32
        %broadcast_in_dim3A_177 = vector.broadcast %broadcast_in_dim3A_176 : i32 to vector<16xi32>
        %gather3A_178 = tpu.vector_load_idx %arg9[%add3A_101, %broadcast_in_dim3A_177] masked %lt3A_102 : memref<256x64xf32, #tpu.memory_space<vmem>>[vector<16xi32>, vector<16xi32>], vector<16xf32>, vector<16xi1>
        tpu.vector_store_idx %arg10[%broadcast_in_dim3A_177, %get3A_107], %gather3A_178 masked %lt3A_102 : memref<64x256xf32, #tpu.memory_space<vmem>>[vector<16xi32>, vector<16xi32>], vector<16xf32>, vector<16xi1>
        %broadcast_in_dim3A_179 = arith.constant 24 : i32
        %broadcast_in_dim3A_180 = vector.broadcast %broadcast_in_dim3A_179 : i32 to vector<16xi32>
        %gather3A_181 = tpu.vector_load_idx %arg9[%add3A_101, %broadcast_in_dim3A_180] masked %lt3A_102 : memref<256x64xf32, #tpu.memory_space<vmem>>[vector<16xi32>, vector<16xi32>], vector<16xf32>, vector<16xi1>
        tpu.vector_store_idx %arg10[%broadcast_in_dim3A_180, %get3A_107], %gather3A_181 masked %lt3A_102 : memref<64x256xf32, #tpu.memory_space<vmem>>[vector<16xi32>, vector<16xi32>], vector<16xf32>, vector<16xi1>
        %broadcast_in_dim3A_182 = arith.constant 25 : i32
        %broadcast_in_dim3A_183 = vector.broadcast %broadcast_in_dim3A_182 : i32 to vector<16xi32>
        %gather3A_184 = tpu.vector_load_idx %arg9[%add3A_101, %broadcast_in_dim3A_183] masked %lt3A_102 : memref<256x64xf32, #tpu.memory_space<vmem>>[vector<16xi32>, vector<16xi32>], vector<16xf32>, vector<16xi1>
        tpu.vector_store_idx %arg10[%broadcast_in_dim3A_183, %get3A_107], %gather3A_184 masked %lt3A_102 : memref<64x256xf32, #tpu.memory_space<vmem>>[vector<16xi32>, vector<16xi32>], vector<16xf32>, vector<16xi1>
        %broadcast_in_dim3A_185 = arith.constant 26 : i32
        %broadcast_in_dim3A_186 = vector.broadcast %broadcast_in_dim3A_185 : i32 to vector<16xi32>
        %gather3A_187 = tpu.vector_load_idx %arg9[%add3A_101, %broadcast_in_dim3A_186] masked %lt3A_102 : memref<256x64xf32, #tpu.memory_space<vmem>>[vector<16xi32>, vector<16xi32>], vector<16xf32>, vector<16xi1>
        tpu.vector_store_idx %arg10[%broadcast_in_dim3A_186, %get3A_107], %gather3A_187 masked %lt3A_102 : memref<64x256xf32, #tpu.memory_space<vmem>>[vector<16xi32>, vector<16xi32>], vector<16xf32>, vector<16xi1>
        %broadcast_in_dim3A_188 = arith.constant 27 : i32
        %broadcast_in_dim3A_189 = vector.broadcast %broadcast_in_dim3A_188 : i32 to vector<16xi32>
        %gather3A_190 = tpu.vector_load_idx %arg9[%add3A_101, %broadcast_in_dim3A_189] masked %lt3A_102 : memref<256x64xf32, #tpu.memory_space<vmem>>[vector<16xi32>, vector<16xi32>], vector<16xf32>, vector<16xi1>
        tpu.vector_store_idx %arg10[%broadcast_in_dim3A_189, %get3A_107], %gather3A_190 masked %lt3A_102 : memref<64x256xf32, #tpu.memory_space<vmem>>[vector<16xi32>, vector<16xi32>], vector<16xf32>, vector<16xi1>
        %broadcast_in_dim3A_191 = arith.constant 28 : i32
        %broadcast_in_dim3A_192 = vector.broadcast %broadcast_in_dim3A_191 : i32 to vector<16xi32>
        %gather3A_193 = tpu.vector_load_idx %arg9[%add3A_101, %broadcast_in_dim3A_192] masked %lt3A_102 : memref<256x64xf32, #tpu.memory_space<vmem>>[vector<16xi32>, vector<16xi32>], vector<16xf32>, vector<16xi1>
        tpu.vector_store_idx %arg10[%broadcast_in_dim3A_192, %get3A_107], %gather3A_193 masked %lt3A_102 : memref<64x256xf32, #tpu.memory_space<vmem>>[vector<16xi32>, vector<16xi32>], vector<16xf32>, vector<16xi1>
        %broadcast_in_dim3A_194 = arith.constant 29 : i32
        %broadcast_in_dim3A_195 = vector.broadcast %broadcast_in_dim3A_194 : i32 to vector<16xi32>
        %gather3A_196 = tpu.vector_load_idx %arg9[%add3A_101, %broadcast_in_dim3A_195] masked %lt3A_102 : memref<256x64xf32, #tpu.memory_space<vmem>>[vector<16xi32>, vector<16xi32>], vector<16xf32>, vector<16xi1>
        tpu.vector_store_idx %arg10[%broadcast_in_dim3A_195, %get3A_107], %gather3A_196 masked %lt3A_102 : memref<64x256xf32, #tpu.memory_space<vmem>>[vector<16xi32>, vector<16xi32>], vector<16xf32>, vector<16xi1>
        %broadcast_in_dim3A_197 = arith.constant 30 : i32
        %broadcast_in_dim3A_198 = vector.broadcast %broadcast_in_dim3A_197 : i32 to vector<16xi32>
        %gather3A_199 = tpu.vector_load_idx %arg9[%add3A_101, %broadcast_in_dim3A_198] masked %lt3A_102 : memref<256x64xf32, #tpu.memory_space<vmem>>[vector<16xi32>, vector<16xi32>], vector<16xf32>, vector<16xi1>
        tpu.vector_store_idx %arg10[%broadcast_in_dim3A_198, %get3A_107], %gather3A_199 masked %lt3A_102 : memref<64x256xf32, #tpu.memory_space<vmem>>[vector<16xi32>, vector<16xi32>], vector<16xf32>, vector<16xi1>
        %broadcast_in_dim3A_200 = arith.constant 31 : i32
        %broadcast_in_dim3A_201 = vector.broadcast %broadcast_in_dim3A_200 : i32 to vector<16xi32>
        %gather3A_202 = tpu.vector_load_idx %arg9[%add3A_101, %broadcast_in_dim3A_201] masked %lt3A_102 : memref<256x64xf32, #tpu.memory_space<vmem>>[vector<16xi32>, vector<16xi32>], vector<16xf32>, vector<16xi1>
        tpu.vector_store_idx %arg10[%broadcast_in_dim3A_201, %get3A_107], %gather3A_202 masked %lt3A_102 : memref<64x256xf32, #tpu.memory_space<vmem>>[vector<16xi32>, vector<16xi32>], vector<16xf32>, vector<16xi1>
        %broadcast_in_dim3A_203 = arith.constant 32 : i32
        %broadcast_in_dim3A_204 = vector.broadcast %broadcast_in_dim3A_203 : i32 to vector<16xi32>
        %gather3A_205 = tpu.vector_load_idx %arg9[%add3A_101, %broadcast_in_dim3A_204] masked %lt3A_102 : memref<256x64xf32, #tpu.memory_space<vmem>>[vector<16xi32>, vector<16xi32>], vector<16xf32>, vector<16xi1>
        tpu.vector_store_idx %arg10[%broadcast_in_dim3A_204, %get3A_107], %gather3A_205 masked %lt3A_102 : memref<64x256xf32, #tpu.memory_space<vmem>>[vector<16xi32>, vector<16xi32>], vector<16xf32>, vector<16xi1>
        %broadcast_in_dim3A_206 = arith.constant 33 : i32
        %broadcast_in_dim3A_207 = vector.broadcast %broadcast_in_dim3A_206 : i32 to vector<16xi32>
        %gather3A_208 = tpu.vector_load_idx %arg9[%add3A_101, %broadcast_in_dim3A_207] masked %lt3A_102 : memref<256x64xf32, #tpu.memory_space<vmem>>[vector<16xi32>, vector<16xi32>], vector<16xf32>, vector<16xi1>
        tpu.vector_store_idx %arg10[%broadcast_in_dim3A_207, %get3A_107], %gather3A_208 masked %lt3A_102 : memref<64x256xf32, #tpu.memory_space<vmem>>[vector<16xi32>, vector<16xi32>], vector<16xf32>, vector<16xi1>
        %broadcast_in_dim3A_209 = arith.constant 34 : i32
        %broadcast_in_dim3A_210 = vector.broadcast %broadcast_in_dim3A_209 : i32 to vector<16xi32>
        %gather3A_211 = tpu.vector_load_idx %arg9[%add3A_101, %broadcast_in_dim3A_210] masked %lt3A_102 : memref<256x64xf32, #tpu.memory_space<vmem>>[vector<16xi32>, vector<16xi32>], vector<16xf32>, vector<16xi1>
        tpu.vector_store_idx %arg10[%broadcast_in_dim3A_210, %get3A_107], %gather3A_211 masked %lt3A_102 : memref<64x256xf32, #tpu.memory_space<vmem>>[vector<16xi32>, vector<16xi32>], vector<16xf32>, vector<16xi1>
        %broadcast_in_dim3A_212 = arith.constant 35 : i32
        %broadcast_in_dim3A_213 = vector.broadcast %broadcast_in_dim3A_212 : i32 to vector<16xi32>
        %gather3A_214 = tpu.vector_load_idx %arg9[%add3A_101, %broadcast_in_dim3A_213] masked %lt3A_102 : memref<256x64xf32, #tpu.memory_space<vmem>>[vector<16xi32>, vector<16xi32>], vector<16xf32>, vector<16xi1>
        tpu.vector_store_idx %arg10[%broadcast_in_dim3A_213, %get3A_107], %gather3A_214 masked %lt3A_102 : memref<64x256xf32, #tpu.memory_space<vmem>>[vector<16xi32>, vector<16xi32>], vector<16xf32>, vector<16xi1>
        %broadcast_in_dim3A_215 = arith.constant 36 : i32
        %broadcast_in_dim3A_216 = vector.broadcast %broadcast_in_dim3A_215 : i32 to vector<16xi32>
        %gather3A_217 = tpu.vector_load_idx %arg9[%add3A_101, %broadcast_in_dim3A_216] masked %lt3A_102 : memref<256x64xf32, #tpu.memory_space<vmem>>[vector<16xi32>, vector<16xi32>], vector<16xf32>, vector<16xi1>
        tpu.vector_store_idx %arg10[%broadcast_in_dim3A_216, %get3A_107], %gather3A_217 masked %lt3A_102 : memref<64x256xf32, #tpu.memory_space<vmem>>[vector<16xi32>, vector<16xi32>], vector<16xf32>, vector<16xi1>
        %broadcast_in_dim3A_218 = arith.constant 37 : i32
        %broadcast_in_dim3A_219 = vector.broadcast %broadcast_in_dim3A_218 : i32 to vector<16xi32>
        %gather3A_220 = tpu.vector_load_idx %arg9[%add3A_101, %broadcast_in_dim3A_219] masked %lt3A_102 : memref<256x64xf32, #tpu.memory_space<vmem>>[vector<16xi32>, vector<16xi32>], vector<16xf32>, vector<16xi1>
        tpu.vector_store_idx %arg10[%broadcast_in_dim3A_219, %get3A_107], %gather3A_220 masked %lt3A_102 : memref<64x256xf32, #tpu.memory_space<vmem>>[vector<16xi32>, vector<16xi32>], vector<16xf32>, vector<16xi1>
        %broadcast_in_dim3A_221 = arith.constant 38 : i32
        %broadcast_in_dim3A_222 = vector.broadcast %broadcast_in_dim3A_221 : i32 to vector<16xi32>
        %gather3A_223 = tpu.vector_load_idx %arg9[%add3A_101, %broadcast_in_dim3A_222] masked %lt3A_102 : memref<256x64xf32, #tpu.memory_space<vmem>>[vector<16xi32>, vector<16xi32>], vector<16xf32>, vector<16xi1>
        tpu.vector_store_idx %arg10[%broadcast_in_dim3A_222, %get3A_107], %gather3A_223 masked %lt3A_102 : memref<64x256xf32, #tpu.memory_space<vmem>>[vector<16xi32>, vector<16xi32>], vector<16xf32>, vector<16xi1>
        %broadcast_in_dim3A_224 = arith.constant 39 : i32
        %broadcast_in_dim3A_225 = vector.broadcast %broadcast_in_dim3A_224 : i32 to vector<16xi32>
        %gather3A_226 = tpu.vector_load_idx %arg9[%add3A_101, %broadcast_in_dim3A_225] masked %lt3A_102 : memref<256x64xf32, #tpu.memory_space<vmem>>[vector<16xi32>, vector<16xi32>], vector<16xf32>, vector<16xi1>
        tpu.vector_store_idx %arg10[%broadcast_in_dim3A_225, %get3A_107], %gather3A_226 masked %lt3A_102 : memref<64x256xf32, #tpu.memory_space<vmem>>[vector<16xi32>, vector<16xi32>], vector<16xf32>, vector<16xi1>
        %broadcast_in_dim3A_227 = arith.constant 40 : i32
        %broadcast_in_dim3A_228 = vector.broadcast %broadcast_in_dim3A_227 : i32 to vector<16xi32>
        %gather3A_229 = tpu.vector_load_idx %arg9[%add3A_101, %broadcast_in_dim3A_228] masked %lt3A_102 : memref<256x64xf32, #tpu.memory_space<vmem>>[vector<16xi32>, vector<16xi32>], vector<16xf32>, vector<16xi1>
        tpu.vector_store_idx %arg10[%broadcast_in_dim3A_228, %get3A_107], %gather3A_229 masked %lt3A_102 : memref<64x256xf32, #tpu.memory_space<vmem>>[vector<16xi32>, vector<16xi32>], vector<16xf32>, vector<16xi1>
        %broadcast_in_dim3A_230 = arith.constant 41 : i32
        %broadcast_in_dim3A_231 = vector.broadcast %broadcast_in_dim3A_230 : i32 to vector<16xi32>
        %gather3A_232 = tpu.vector_load_idx %arg9[%add3A_101, %broadcast_in_dim3A_231] masked %lt3A_102 : memref<256x64xf32, #tpu.memory_space<vmem>>[vector<16xi32>, vector<16xi32>], vector<16xf32>, vector<16xi1>
        tpu.vector_store_idx %arg10[%broadcast_in_dim3A_231, %get3A_107], %gather3A_232 masked %lt3A_102 : memref<64x256xf32, #tpu.memory_space<vmem>>[vector<16xi32>, vector<16xi32>], vector<16xf32>, vector<16xi1>
        %broadcast_in_dim3A_233 = arith.constant 42 : i32
        %broadcast_in_dim3A_234 = vector.broadcast %broadcast_in_dim3A_233 : i32 to vector<16xi32>
        %gather3A_235 = tpu.vector_load_idx %arg9[%add3A_101, %broadcast_in_dim3A_234] masked %lt3A_102 : memref<256x64xf32, #tpu.memory_space<vmem>>[vector<16xi32>, vector<16xi32>], vector<16xf32>, vector<16xi1>
        tpu.vector_store_idx %arg10[%broadcast_in_dim3A_234, %get3A_107], %gather3A_235 masked %lt3A_102 : memref<64x256xf32, #tpu.memory_space<vmem>>[vector<16xi32>, vector<16xi32>], vector<16xf32>, vector<16xi1>
        %broadcast_in_dim3A_236 = arith.constant 43 : i32
        %broadcast_in_dim3A_237 = vector.broadcast %broadcast_in_dim3A_236 : i32 to vector<16xi32>
        %gather3A_238 = tpu.vector_load_idx %arg9[%add3A_101, %broadcast_in_dim3A_237] masked %lt3A_102 : memref<256x64xf32, #tpu.memory_space<vmem>>[vector<16xi32>, vector<16xi32>], vector<16xf32>, vector<16xi1>
        tpu.vector_store_idx %arg10[%broadcast_in_dim3A_237, %get3A_107], %gather3A_238 masked %lt3A_102 : memref<64x256xf32, #tpu.memory_space<vmem>>[vector<16xi32>, vector<16xi32>], vector<16xf32>, vector<16xi1>
        %broadcast_in_dim3A_239 = arith.constant 44 : i32
        %broadcast_in_dim3A_240 = vector.broadcast %broadcast_in_dim3A_239 : i32 to vector<16xi32>
        %gather3A_241 = tpu.vector_load_idx %arg9[%add3A_101, %broadcast_in_dim3A_240] masked %lt3A_102 : memref<256x64xf32, #tpu.memory_space<vmem>>[vector<16xi32>, vector<16xi32>], vector<16xf32>, vector<16xi1>
        tpu.vector_store_idx %arg10[%broadcast_in_dim3A_240, %get3A_107], %gather3A_241 masked %lt3A_102 : memref<64x256xf32, #tpu.memory_space<vmem>>[vector<16xi32>, vector<16xi32>], vector<16xf32>, vector<16xi1>
        %broadcast_in_dim3A_242 = arith.constant 45 : i32
        %broadcast_in_dim3A_243 = vector.broadcast %broadcast_in_dim3A_242 : i32 to vector<16xi32>
        %gather3A_244 = tpu.vector_load_idx %arg9[%add3A_101, %broadcast_in_dim3A_243] masked %lt3A_102 : memref<256x64xf32, #tpu.memory_space<vmem>>[vector<16xi32>, vector<16xi32>], vector<16xf32>, vector<16xi1>
        tpu.vector_store_idx %arg10[%broadcast_in_dim3A_243, %get3A_107], %gather3A_244 masked %lt3A_102 : memref<64x256xf32, #tpu.memory_space<vmem>>[vector<16xi32>, vector<16xi32>], vector<16xf32>, vector<16xi1>
        %broadcast_in_dim3A_245 = arith.constant 46 : i32
        %broadcast_in_dim3A_246 = vector.broadcast %broadcast_in_dim3A_245 : i32 to vector<16xi32>
        %gather3A_247 = tpu.vector_load_idx %arg9[%add3A_101, %broadcast_in_dim3A_246] masked %lt3A_102 : memref<256x64xf32, #tpu.memory_space<vmem>>[vector<16xi32>, vector<16xi32>], vector<16xf32>, vector<16xi1>
        tpu.vector_store_idx %arg10[%broadcast_in_dim3A_246, %get3A_107], %gather3A_247 masked %lt3A_102 : memref<64x256xf32, #tpu.memory_space<vmem>>[vector<16xi32>, vector<16xi32>], vector<16xf32>, vector<16xi1>
        %broadcast_in_dim3A_248 = arith.constant 47 : i32
        %broadcast_in_dim3A_249 = vector.broadcast %broadcast_in_dim3A_248 : i32 to vector<16xi32>
        %gather3A_250 = tpu.vector_load_idx %arg9[%add3A_101, %broadcast_in_dim3A_249] masked %lt3A_102 : memref<256x64xf32, #tpu.memory_space<vmem>>[vector<16xi32>, vector<16xi32>], vector<16xf32>, vector<16xi1>
        tpu.vector_store_idx %arg10[%broadcast_in_dim3A_249, %get3A_107], %gather3A_250 masked %lt3A_102 : memref<64x256xf32, #tpu.memory_space<vmem>>[vector<16xi32>, vector<16xi32>], vector<16xf32>, vector<16xi1>
        %broadcast_in_dim3A_251 = arith.constant 48 : i32
        %broadcast_in_dim3A_252 = vector.broadcast %broadcast_in_dim3A_251 : i32 to vector<16xi32>
        %gather3A_253 = tpu.vector_load_idx %arg9[%add3A_101, %broadcast_in_dim3A_252] masked %lt3A_102 : memref<256x64xf32, #tpu.memory_space<vmem>>[vector<16xi32>, vector<16xi32>], vector<16xf32>, vector<16xi1>
        tpu.vector_store_idx %arg10[%broadcast_in_dim3A_252, %get3A_107], %gather3A_253 masked %lt3A_102 : memref<64x256xf32, #tpu.memory_space<vmem>>[vector<16xi32>, vector<16xi32>], vector<16xf32>, vector<16xi1>
        %broadcast_in_dim3A_254 = arith.constant 49 : i32
        %broadcast_in_dim3A_255 = vector.broadcast %broadcast_in_dim3A_254 : i32 to vector<16xi32>
        %gather3A_256 = tpu.vector_load_idx %arg9[%add3A_101, %broadcast_in_dim3A_255] masked %lt3A_102 : memref<256x64xf32, #tpu.memory_space<vmem>>[vector<16xi32>, vector<16xi32>], vector<16xf32>, vector<16xi1>
        tpu.vector_store_idx %arg10[%broadcast_in_dim3A_255, %get3A_107], %gather3A_256 masked %lt3A_102 : memref<64x256xf32, #tpu.memory_space<vmem>>[vector<16xi32>, vector<16xi32>], vector<16xf32>, vector<16xi1>
        %broadcast_in_dim3A_257 = arith.constant 50 : i32
        %broadcast_in_dim3A_258 = vector.broadcast %broadcast_in_dim3A_257 : i32 to vector<16xi32>
        %gather3A_259 = tpu.vector_load_idx %arg9[%add3A_101, %broadcast_in_dim3A_258] masked %lt3A_102 : memref<256x64xf32, #tpu.memory_space<vmem>>[vector<16xi32>, vector<16xi32>], vector<16xf32>, vector<16xi1>
        tpu.vector_store_idx %arg10[%broadcast_in_dim3A_258, %get3A_107], %gather3A_259 masked %lt3A_102 : memref<64x256xf32, #tpu.memory_space<vmem>>[vector<16xi32>, vector<16xi32>], vector<16xf32>, vector<16xi1>
        %broadcast_in_dim3A_260 = arith.constant 51 : i32
        %broadcast_in_dim3A_261 = vector.broadcast %broadcast_in_dim3A_260 : i32 to vector<16xi32>
        %gather3A_262 = tpu.vector_load_idx %arg9[%add3A_101, %broadcast_in_dim3A_261] masked %lt3A_102 : memref<256x64xf32, #tpu.memory_space<vmem>>[vector<16xi32>, vector<16xi32>], vector<16xf32>, vector<16xi1>
        tpu.vector_store_idx %arg10[%broadcast_in_dim3A_261, %get3A_107], %gather3A_262 masked %lt3A_102 : memref<64x256xf32, #tpu.memory_space<vmem>>[vector<16xi32>, vector<16xi32>], vector<16xf32>, vector<16xi1>
        %broadcast_in_dim3A_263 = arith.constant 52 : i32
        %broadcast_in_dim3A_264 = vector.broadcast %broadcast_in_dim3A_263 : i32 to vector<16xi32>
        %gather3A_265 = tpu.vector_load_idx %arg9[%add3A_101, %broadcast_in_dim3A_264] masked %lt3A_102 : memref<256x64xf32, #tpu.memory_space<vmem>>[vector<16xi32>, vector<16xi32>], vector<16xf32>, vector<16xi1>
        tpu.vector_store_idx %arg10[%broadcast_in_dim3A_264, %get3A_107], %gather3A_265 masked %lt3A_102 : memref<64x256xf32, #tpu.memory_space<vmem>>[vector<16xi32>, vector<16xi32>], vector<16xf32>, vector<16xi1>
        %broadcast_in_dim3A_266 = arith.constant 53 : i32
        %broadcast_in_dim3A_267 = vector.broadcast %broadcast_in_dim3A_266 : i32 to vector<16xi32>
        %gather3A_268 = tpu.vector_load_idx %arg9[%add3A_101, %broadcast_in_dim3A_267] masked %lt3A_102 : memref<256x64xf32, #tpu.memory_space<vmem>>[vector<16xi32>, vector<16xi32>], vector<16xf32>, vector<16xi1>
        tpu.vector_store_idx %arg10[%broadcast_in_dim3A_267, %get3A_107], %gather3A_268 masked %lt3A_102 : memref<64x256xf32, #tpu.memory_space<vmem>>[vector<16xi32>, vector<16xi32>], vector<16xf32>, vector<16xi1>
        %broadcast_in_dim3A_269 = arith.constant 54 : i32
        %broadcast_in_dim3A_270 = vector.broadcast %broadcast_in_dim3A_269 : i32 to vector<16xi32>
        %gather3A_271 = tpu.vector_load_idx %arg9[%add3A_101, %broadcast_in_dim3A_270] masked %lt3A_102 : memref<256x64xf32, #tpu.memory_space<vmem>>[vector<16xi32>, vector<16xi32>], vector<16xf32>, vector<16xi1>
        tpu.vector_store_idx %arg10[%broadcast_in_dim3A_270, %get3A_107], %gather3A_271 masked %lt3A_102 : memref<64x256xf32, #tpu.memory_space<vmem>>[vector<16xi32>, vector<16xi32>], vector<16xf32>, vector<16xi1>
        %broadcast_in_dim3A_272 = arith.constant 55 : i32
        %broadcast_in_dim3A_273 = vector.broadcast %broadcast_in_dim3A_272 : i32 to vector<16xi32>
        %gather3A_274 = tpu.vector_load_idx %arg9[%add3A_101, %broadcast_in_dim3A_273] masked %lt3A_102 : memref<256x64xf32, #tpu.memory_space<vmem>>[vector<16xi32>, vector<16xi32>], vector<16xf32>, vector<16xi1>
        tpu.vector_store_idx %arg10[%broadcast_in_dim3A_273, %get3A_107], %gather3A_274 masked %lt3A_102 : memref<64x256xf32, #tpu.memory_space<vmem>>[vector<16xi32>, vector<16xi32>], vector<16xf32>, vector<16xi1>
        %broadcast_in_dim3A_275 = arith.constant 56 : i32
        %broadcast_in_dim3A_276 = vector.broadcast %broadcast_in_dim3A_275 : i32 to vector<16xi32>
        %gather3A_277 = tpu.vector_load_idx %arg9[%add3A_101, %broadcast_in_dim3A_276] masked %lt3A_102 : memref<256x64xf32, #tpu.memory_space<vmem>>[vector<16xi32>, vector<16xi32>], vector<16xf32>, vector<16xi1>
        tpu.vector_store_idx %arg10[%broadcast_in_dim3A_276, %get3A_107], %gather3A_277 masked %lt3A_102 : memref<64x256xf32, #tpu.memory_space<vmem>>[vector<16xi32>, vector<16xi32>], vector<16xf32>, vector<16xi1>
        %broadcast_in_dim3A_278 = arith.constant 57 : i32
        %broadcast_in_dim3A_279 = vector.broadcast %broadcast_in_dim3A_278 : i32 to vector<16xi32>
        %gather3A_280 = tpu.vector_load_idx %arg9[%add3A_101, %broadcast_in_dim3A_279] masked %lt3A_102 : memref<256x64xf32, #tpu.memory_space<vmem>>[vector<16xi32>, vector<16xi32>], vector<16xf32>, vector<16xi1>
        tpu.vector_store_idx %arg10[%broadcast_in_dim3A_279, %get3A_107], %gather3A_280 masked %lt3A_102 : memref<64x256xf32, #tpu.memory_space<vmem>>[vector<16xi32>, vector<16xi32>], vector<16xf32>, vector<16xi1>
        %broadcast_in_dim3A_281 = arith.constant 58 : i32
        %broadcast_in_dim3A_282 = vector.broadcast %broadcast_in_dim3A_281 : i32 to vector<16xi32>
        %gather3A_283 = tpu.vector_load_idx %arg9[%add3A_101, %broadcast_in_dim3A_282] masked %lt3A_102 : memref<256x64xf32, #tpu.memory_space<vmem>>[vector<16xi32>, vector<16xi32>], vector<16xf32>, vector<16xi1>
        tpu.vector_store_idx %arg10[%broadcast_in_dim3A_282, %get3A_107], %gather3A_283 masked %lt3A_102 : memref<64x256xf32, #tpu.memory_space<vmem>>[vector<16xi32>, vector<16xi32>], vector<16xf32>, vector<16xi1>
        %broadcast_in_dim3A_284 = arith.constant 59 : i32
        %broadcast_in_dim3A_285 = vector.broadcast %broadcast_in_dim3A_284 : i32 to vector<16xi32>
        %gather3A_286 = tpu.vector_load_idx %arg9[%add3A_101, %broadcast_in_dim3A_285] masked %lt3A_102 : memref<256x64xf32, #tpu.memory_space<vmem>>[vector<16xi32>, vector<16xi32>], vector<16xf32>, vector<16xi1>
        tpu.vector_store_idx %arg10[%broadcast_in_dim3A_285, %get3A_107], %gather3A_286 masked %lt3A_102 : memref<64x256xf32, #tpu.memory_space<vmem>>[vector<16xi32>, vector<16xi32>], vector<16xf32>, vector<16xi1>
        %broadcast_in_dim3A_287 = arith.constant 60 : i32
        %broadcast_in_dim3A_288 = vector.broadcast %broadcast_in_dim3A_287 : i32 to vector<16xi32>
        %gather3A_289 = tpu.vector_load_idx %arg9[%add3A_101, %broadcast_in_dim3A_288] masked %lt3A_102 : memref<256x64xf32, #tpu.memory_space<vmem>>[vector<16xi32>, vector<16xi32>], vector<16xf32>, vector<16xi1>
        tpu.vector_store_idx %arg10[%broadcast_in_dim3A_288, %get3A_107], %gather3A_289 masked %lt3A_102 : memref<64x256xf32, #tpu.memory_space<vmem>>[vector<16xi32>, vector<16xi32>], vector<16xf32>, vector<16xi1>
        %broadcast_in_dim3A_290 = arith.constant 61 : i32
        %broadcast_in_dim3A_291 = vector.broadcast %broadcast_in_dim3A_290 : i32 to vector<16xi32>
        %gather3A_292 = tpu.vector_load_idx %arg9[%add3A_101, %broadcast_in_dim3A_291] masked %lt3A_102 : memref<256x64xf32, #tpu.memory_space<vmem>>[vector<16xi32>, vector<16xi32>], vector<16xf32>, vector<16xi1>
        tpu.vector_store_idx %arg10[%broadcast_in_dim3A_291, %get3A_107], %gather3A_292 masked %lt3A_102 : memref<64x256xf32, #tpu.memory_space<vmem>>[vector<16xi32>, vector<16xi32>], vector<16xf32>, vector<16xi1>
        %broadcast_in_dim3A_293 = arith.constant 62 : i32
        %broadcast_in_dim3A_294 = vector.broadcast %broadcast_in_dim3A_293 : i32 to vector<16xi32>
        %gather3A_295 = tpu.vector_load_idx %arg9[%add3A_101, %broadcast_in_dim3A_294] masked %lt3A_102 : memref<256x64xf32, #tpu.memory_space<vmem>>[vector<16xi32>, vector<16xi32>], vector<16xf32>, vector<16xi1>
        tpu.vector_store_idx %arg10[%broadcast_in_dim3A_294, %get3A_107], %gather3A_295 masked %lt3A_102 : memref<64x256xf32, #tpu.memory_space<vmem>>[vector<16xi32>, vector<16xi32>], vector<16xf32>, vector<16xi1>
        %broadcast_in_dim3A_296 = arith.constant 63 : i32
        %broadcast_in_dim3A_297 = vector.broadcast %broadcast_in_dim3A_296 : i32 to vector<16xi32>
        %gather3A_298 = tpu.vector_load_idx %arg9[%add3A_101, %broadcast_in_dim3A_297] masked %lt3A_102 : memref<256x64xf32, #tpu.memory_space<vmem>>[vector<16xi32>, vector<16xi32>], vector<16xf32>, vector<16xi1>
        tpu.vector_store_idx %arg10[%broadcast_in_dim3A_297, %get3A_107], %gather3A_298 masked %lt3A_102 : memref<64x256xf32, #tpu.memory_space<vmem>>[vector<16xi32>, vector<16xi32>], vector<16xf32>, vector<16xi1>
      }
      %while3A_82 = arith.constant 1 : i32
      scf.for %while3A_97 = %while3A_80 to %while3A_76 step %while3A_82  : i32 {
        %mul3A_98 = arith.constant 16 : i32
        %mul3A_99 = arith.muli %while3A_97, %mul3A_98 : i32
        %add3A_100 = vector.broadcast %mul3A_99 : i32 to vector<16xi32>
        %add3A_101 = arith.addi %add3A_100, %iota3A : vector<16xi32>
        %lt3A = vector.broadcast %get3A_35 : i32 to vector<16xi32>
        %lt3A_102 = arith.cmpi slt, %add3A_101, %lt3A : vector<16xi32>
        %mul3A_103 = arith.constant 16 : i32
        %mul3A_104 = arith.muli %while3A_97, %mul3A_103 : i32
        %get3A_105 = arith.index_cast %scan3A_34 : i32 to index
        %get3A_106 = arith.index_cast %mul3A_104 : i32 to index
        %get3A_107 = tpu.vector_load %arg7[%get3A_105, %get3A_106] {strides = array<i32>} : memref<32x256xi32, #tpu.memory_space<vmem>>, vector<16xi32>,
        %broadcast_in_dim3A_108 = arith.constant 0 : i32
        %broadcast_in_dim3A_109 = vector.broadcast %broadcast_in_dim3A_108 : i32 to vector<16xi32>
        %gather3A = tpu.vector_load_idx %arg9[%add3A_101, %broadcast_in_dim3A_109] masked %lt3A_102 : memref<256x64xf32, #tpu.memory_space<vmem>>[vector<16xi32>, vector<16xi32>], vector<16xf32>, vector<16xi1>
        tpu.vector_store_idx %arg10[%broadcast_in_dim3A_109, %get3A_107], %gather3A masked %lt3A_102 : memref<64x256xf32, #tpu.memory_space<vmem>>[vector<16xi32>, vector<16xi32>], vector<16xf32>, vector<16xi1>
        %broadcast_in_dim3A_110 = arith.constant 1 : i32
        %broadcast_in_dim3A_111 = vector.broadcast %broadcast_in_dim3A_110 : i32 to vector<16xi32>
        %gather3A_112 = tpu.vector_load_idx %arg9[%add3A_101, %broadcast_in_dim3A_111] masked %lt3A_102 : memref<256x64xf32, #tpu.memory_space<vmem>>[vector<16xi32>, vector<16xi32>], vector<16xf32>, vector<16xi1>
        tpu.vector_store_idx %arg10[%broadcast_in_dim3A_111, %get3A_107], %gather3A_112 masked %lt3A_102 : memref<64x256xf32, #tpu.memory_space<vmem>>[vector<16xi32>, vector<16xi32>], vector<16xf32>, vector<16xi1>
        %broadcast_in_dim3A_113 = arith.constant 2 : i32
        %broadcast_in_dim3A_114 = vector.broadcast %broadcast_in_dim3A_113 : i32 to vector<16xi32>
        %gather3A_115 = tpu.vector_load_idx %arg9[%add3A_101, %broadcast_in_dim3A_114] masked %lt3A_102 : memref<256x64xf32, #tpu.memory_space<vmem>>[vector<16xi32>, vector<16xi32>], vector<16xf32>, vector<16xi1>
        tpu.vector_store_idx %arg10[%broadcast_in_dim3A_114, %get3A_107], %gather3A_115 masked %lt3A_102 : memref<64x256xf32, #tpu.memory_space<vmem>>[vector<16xi32>, vector<16xi32>], vector<16xf32>, vector<16xi1>
        %broadcast_in_dim3A_116 = arith.constant 3 : i32
        %broadcast_in_dim3A_117 = vector.broadcast %broadcast_in_dim3A_116 : i32 to vector<16xi32>
        %gather3A_118 = tpu.vector_load_idx %arg9[%add3A_101, %broadcast_in_dim3A_117] masked %lt3A_102 : memref<256x64xf32, #tpu.memory_space<vmem>>[vector<16xi32>, vector<16xi32>], vector<16xf32>, vector<16xi1>
        tpu.vector_store_idx %arg10[%broadcast_in_dim3A_117, %get3A_107], %gather3A_118 masked %lt3A_102 : memref<64x256xf32, #tpu.memory_space<vmem>>[vector<16xi32>, vector<16xi32>], vector<16xf32>, vector<16xi1>
        %broadcast_in_dim3A_119 = arith.constant 4 : i32
        %broadcast_in_dim3A_120 = vector.broadcast %broadcast_in_dim3A_119 : i32 to vector<16xi32>
        %gather3A_121 = tpu.vector_load_idx %arg9[%add3A_101, %broadcast_in_dim3A_120] masked %lt3A_102 : memref<256x64xf32, #tpu.memory_space<vmem>>[vector<16xi32>, vector<16xi32>], vector<16xf32>, vector<16xi1>
        tpu.vector_store_idx %arg10[%broadcast_in_dim3A_120, %get3A_107], %gather3A_121 masked %lt3A_102 : memref<64x256xf32, #tpu.memory_space<vmem>>[vector<16xi32>, vector<16xi32>], vector<16xf32>, vector<16xi1>
        %broadcast_in_dim3A_122 = arith.constant 5 : i32
        %broadcast_in_dim3A_123 = vector.broadcast %broadcast_in_dim3A_122 : i32 to vector<16xi32>
        %gather3A_124 = tpu.vector_load_idx %arg9[%add3A_101, %broadcast_in_dim3A_123] masked %lt3A_102 : memref<256x64xf32, #tpu.memory_space<vmem>>[vector<16xi32>, vector<16xi32>], vector<16xf32>, vector<16xi1>
        tpu.vector_store_idx %arg10[%broadcast_in_dim3A_123, %get3A_107], %gather3A_124 masked %lt3A_102 : memref<64x256xf32, #tpu.memory_space<vmem>>[vector<16xi32>, vector<16xi32>], vector<16xf32>, vector<16xi1>
        %broadcast_in_dim3A_125 = arith.constant 6 : i32
        %broadcast_in_dim3A_126 = vector.broadcast %broadcast_in_dim3A_125 : i32 to vector<16xi32>
        %gather3A_127 = tpu.vector_load_idx %arg9[%add3A_101, %broadcast_in_dim3A_126] masked %lt3A_102 : memref<256x64xf32, #tpu.memory_space<vmem>>[vector<16xi32>, vector<16xi32>], vector<16xf32>, vector<16xi1>
        tpu.vector_store_idx %arg10[%broadcast_in_dim3A_126, %get3A_107], %gather3A_127 masked %lt3A_102 : memref<64x256xf32, #tpu.memory_space<vmem>>[vector<16xi32>, vector<16xi32>], vector<16xf32>, vector<16xi1>
        %broadcast_in_dim3A_128 = arith.constant 7 : i32
        %broadcast_in_dim3A_129 = vector.broadcast %broadcast_in_dim3A_128 : i32 to vector<16xi32>
        %gather3A_130 = tpu.vector_load_idx %arg9[%add3A_101, %broadcast_in_dim3A_129] masked %lt3A_102 : memref<256x64xf32, #tpu.memory_space<vmem>>[vector<16xi32>, vector<16xi32>], vector<16xf32>, vector<16xi1>
        tpu.vector_store_idx %arg10[%broadcast_in_dim3A_129, %get3A_107], %gather3A_130 masked %lt3A_102 : memref<64x256xf32, #tpu.memory_space<vmem>>[vector<16xi32>, vector<16xi32>], vector<16xf32>, vector<16xi1>
        %broadcast_in_dim3A_131 = arith.constant 8 : i32
        %broadcast_in_dim3A_132 = vector.broadcast %broadcast_in_dim3A_131 : i32 to vector<16xi32>
        %gather3A_133 = tpu.vector_load_idx %arg9[%add3A_101, %broadcast_in_dim3A_132] masked %lt3A_102 : memref<256x64xf32, #tpu.memory_space<vmem>>[vector<16xi32>, vector<16xi32>], vector<16xf32>, vector<16xi1>
        tpu.vector_store_idx %arg10[%broadcast_in_dim3A_132, %get3A_107], %gather3A_133 masked %lt3A_102 : memref<64x256xf32, #tpu.memory_space<vmem>>[vector<16xi32>, vector<16xi32>], vector<16xf32>, vector<16xi1>
        %broadcast_in_dim3A_134 = arith.constant 9 : i32
        %broadcast_in_dim3A_135 = vector.broadcast %broadcast_in_dim3A_134 : i32 to vector<16xi32>
        %gather3A_136 = tpu.vector_load_idx %arg9[%add3A_101, %broadcast_in_dim3A_135] masked %lt3A_102 : memref<256x64xf32, #tpu.memory_space<vmem>>[vector<16xi32>, vector<16xi32>], vector<16xf32>, vector<16xi1>
        tpu.vector_store_idx %arg10[%broadcast_in_dim3A_135, %get3A_107], %gather3A_136 masked %lt3A_102 : memref<64x256xf32, #tpu.memory_space<vmem>>[vector<16xi32>, vector<16xi32>], vector<16xf32>, vector<16xi1>
        %broadcast_in_dim3A_137 = arith.constant 10 : i32
        %broadcast_in_dim3A_138 = vector.broadcast %broadcast_in_dim3A_137 : i32 to vector<16xi32>
        %gather3A_139 = tpu.vector_load_idx %arg9[%add3A_101, %broadcast_in_dim3A_138] masked %lt3A_102 : memref<256x64xf32, #tpu.memory_space<vmem>>[vector<16xi32>, vector<16xi32>], vector<16xf32>, vector<16xi1>
        tpu.vector_store_idx %arg10[%broadcast_in_dim3A_138, %get3A_107], %gather3A_139 masked %lt3A_102 : memref<64x256xf32, #tpu.memory_space<vmem>>[vector<16xi32>, vector<16xi32>], vector<16xf32>, vector<16xi1>
        %broadcast_in_dim3A_140 = arith.constant 11 : i32
        %broadcast_in_dim3A_141 = vector.broadcast %broadcast_in_dim3A_140 : i32 to vector<16xi32>
        %gather3A_142 = tpu.vector_load_idx %arg9[%add3A_101, %broadcast_in_dim3A_141] masked %lt3A_102 : memref<256x64xf32, #tpu.memory_space<vmem>>[vector<16xi32>, vector<16xi32>], vector<16xf32>, vector<16xi1>
        tpu.vector_store_idx %arg10[%broadcast_in_dim3A_141, %get3A_107], %gather3A_142 masked %lt3A_102 : memref<64x256xf32, #tpu.memory_space<vmem>>[vector<16xi32>, vector<16xi32>], vector<16xf32>, vector<16xi1>
        %broadcast_in_dim3A_143 = arith.constant 12 : i32
        %broadcast_in_dim3A_144 = vector.broadcast %broadcast_in_dim3A_143 : i32 to vector<16xi32>
        %gather3A_145 = tpu.vector_load_idx %arg9[%add3A_101, %broadcast_in_dim3A_144] masked %lt3A_102 : memref<256x64xf32, #tpu.memory_space<vmem>>[vector<16xi32>, vector<16xi32>], vector<16xf32>, vector<16xi1>
        tpu.vector_store_idx %arg10[%broadcast_in_dim3A_144, %get3A_107], %gather3A_145 masked %lt3A_102 : memref<64x256xf32, #tpu.memory_space<vmem>>[vector<16xi32>, vector<16xi32>], vector<16xf32>, vector<16xi1>
        %broadcast_in_dim3A_146 = arith.constant 13 : i32
        %broadcast_in_dim3A_147 = vector.broadcast %broadcast_in_dim3A_146 : i32 to vector<16xi32>
        %gather3A_148 = tpu.vector_load_idx %arg9[%add3A_101, %broadcast_in_dim3A_147] masked %lt3A_102 : memref<256x64xf32, #tpu.memory_space<vmem>>[vector<16xi32>, vector<16xi32>], vector<16xf32>, vector<16xi1>
        tpu.vector_store_idx %arg10[%broadcast_in_dim3A_147, %get3A_107], %gather3A_148 masked %lt3A_102 : memref<64x256xf32, #tpu.memory_space<vmem>>[vector<16xi32>, vector<16xi32>], vector<16xf32>, vector<16xi1>
        %broadcast_in_dim3A_149 = arith.constant 14 : i32
        %broadcast_in_dim3A_150 = vector.broadcast %broadcast_in_dim3A_149 : i32 to vector<16xi32>
        %gather3A_151 = tpu.vector_load_idx %arg9[%add3A_101, %broadcast_in_dim3A_150] masked %lt3A_102 : memref<256x64xf32, #tpu.memory_space<vmem>>[vector<16xi32>, vector<16xi32>], vector<16xf32>, vector<16xi1>
        tpu.vector_store_idx %arg10[%broadcast_in_dim3A_150, %get3A_107], %gather3A_151 masked %lt3A_102 : memref<64x256xf32, #tpu.memory_space<vmem>>[vector<16xi32>, vector<16xi32>], vector<16xf32>, vector<16xi1>
        %broadcast_in_dim3A_152 = arith.constant 15 : i32
        %broadcast_in_dim3A_153 = vector.broadcast %broadcast_in_dim3A_152 : i32 to vector<16xi32>
        %gather3A_154 = tpu.vector_load_idx %arg9[%add3A_101, %broadcast_in_dim3A_153] masked %lt3A_102 : memref<256x64xf32, #tpu.memory_space<vmem>>[vector<16xi32>, vector<16xi32>], vector<16xf32>, vector<16xi1>
        tpu.vector_store_idx %arg10[%broadcast_in_dim3A_153, %get3A_107], %gather3A_154 masked %lt3A_102 : memref<64x256xf32, #tpu.memory_space<vmem>>[vector<16xi32>, vector<16xi32>], vector<16xf32>, vector<16xi1>
        %broadcast_in_dim3A_155 = arith.constant 16 : i32
        %broadcast_in_dim3A_156 = vector.broadcast %broadcast_in_dim3A_155 : i32 to vector<16xi32>
        %gather3A_157 = tpu.vector_load_idx %arg9[%add3A_101, %broadcast_in_dim3A_156] masked %lt3A_102 : memref<256x64xf32, #tpu.memory_space<vmem>>[vector<16xi32>, vector<16xi32>], vector<16xf32>, vector<16xi1>
        tpu.vector_store_idx %arg10[%broadcast_in_dim3A_156, %get3A_107], %gather3A_157 masked %lt3A_102 : memref<64x256xf32, #tpu.memory_space<vmem>>[vector<16xi32>, vector<16xi32>], vector<16xf32>, vector<16xi1>
        %broadcast_in_dim3A_158 = arith.constant 17 : i32
        %broadcast_in_dim3A_159 = vector.broadcast %broadcast_in_dim3A_158 : i32 to vector<16xi32>
        %gather3A_160 = tpu.vector_load_idx %arg9[%add3A_101, %broadcast_in_dim3A_159] masked %lt3A_102 : memref<256x64xf32, #tpu.memory_space<vmem>>[vector<16xi32>, vector<16xi32>], vector<16xf32>, vector<16xi1>
        tpu.vector_store_idx %arg10[%broadcast_in_dim3A_159, %get3A_107], %gather3A_160 masked %lt3A_102 : memref<64x256xf32, #tpu.memory_space<vmem>>[vector<16xi32>, vector<16xi32>], vector<16xf32>, vector<16xi1>
        %broadcast_in_dim3A_161 = arith.constant 18 : i32
        %broadcast_in_dim3A_162 = vector.broadcast %broadcast_in_dim3A_161 : i32 to vector<16xi32>
        %gather3A_163 = tpu.vector_load_idx %arg9[%add3A_101, %broadcast_in_dim3A_162] masked %lt3A_102 : memref<256x64xf32, #tpu.memory_space<vmem>>[vector<16xi32>, vector<16xi32>], vector<16xf32>, vector<16xi1>
        tpu.vector_store_idx %arg10[%broadcast_in_dim3A_162, %get3A_107], %gather3A_163 masked %lt3A_102 : memref<64x256xf32, #tpu.memory_space<vmem>>[vector<16xi32>, vector<16xi32>], vector<16xf32>, vector<16xi1>
        %broadcast_in_dim3A_164 = arith.constant 19 : i32
        %broadcast_in_dim3A_165 = vector.broadcast %broadcast_in_dim3A_164 : i32 to vector<16xi32>
        %gather3A_166 = tpu.vector_load_idx %arg9[%add3A_101, %broadcast_in_dim3A_165] masked %lt3A_102 : memref<256x64xf32, #tpu.memory_space<vmem>>[vector<16xi32>, vector<16xi32>], vector<16xf32>, vector<16xi1>
        tpu.vector_store_idx %arg10[%broadcast_in_dim3A_165, %get3A_107], %gather3A_166 masked %lt3A_102 : memref<64x256xf32, #tpu.memory_space<vmem>>[vector<16xi32>, vector<16xi32>], vector<16xf32>, vector<16xi1>
        %broadcast_in_dim3A_167 = arith.constant 20 : i32
        %broadcast_in_dim3A_168 = vector.broadcast %broadcast_in_dim3A_167 : i32 to vector<16xi32>
        %gather3A_169 = tpu.vector_load_idx %arg9[%add3A_101, %broadcast_in_dim3A_168] masked %lt3A_102 : memref<256x64xf32, #tpu.memory_space<vmem>>[vector<16xi32>, vector<16xi32>], vector<16xf32>, vector<16xi1>
        tpu.vector_store_idx %arg10[%broadcast_in_dim3A_168, %get3A_107], %gather3A_169 masked %lt3A_102 : memref<64x256xf32, #tpu.memory_space<vmem>>[vector<16xi32>, vector<16xi32>], vector<16xf32>, vector<16xi1>
        %broadcast_in_dim3A_170 = arith.constant 21 : i32
        %broadcast_in_dim3A_171 = vector.broadcast %broadcast_in_dim3A_170 : i32 to vector<16xi32>
        %gather3A_172 = tpu.vector_load_idx %arg9[%add3A_101, %broadcast_in_dim3A_171] masked %lt3A_102 : memref<256x64xf32, #tpu.memory_space<vmem>>[vector<16xi32>, vector<16xi32>], vector<16xf32>, vector<16xi1>
        tpu.vector_store_idx %arg10[%broadcast_in_dim3A_171, %get3A_107], %gather3A_172 masked %lt3A_102 : memref<64x256xf32, #tpu.memory_space<vmem>>[vector<16xi32>, vector<16xi32>], vector<16xf32>, vector<16xi1>
        %broadcast_in_dim3A_173 = arith.constant 22 : i32
        %broadcast_in_dim3A_174 = vector.broadcast %broadcast_in_dim3A_173 : i32 to vector<16xi32>
        %gather3A_175 = tpu.vector_load_idx %arg9[%add3A_101, %broadcast_in_dim3A_174] masked %lt3A_102 : memref<256x64xf32, #tpu.memory_space<vmem>>[vector<16xi32>, vector<16xi32>], vector<16xf32>, vector<16xi1>
        tpu.vector_store_idx %arg10[%broadcast_in_dim3A_174, %get3A_107], %gather3A_175 masked %lt3A_102 : memref<64x256xf32, #tpu.memory_space<vmem>>[vector<16xi32>, vector<16xi32>], vector<16xf32>, vector<16xi1>
        %broadcast_in_dim3A_176 = arith.constant 23 : i32
        %broadcast_in_dim3A_177 = vector.broadcast %broadcast_in_dim3A_176 : i32 to vector<16xi32>
        %gather3A_178 = tpu.vector_load_idx %arg9[%add3A_101, %broadcast_in_dim3A_177] masked %lt3A_102 : memref<256x64xf32, #tpu.memory_space<vmem>>[vector<16xi32>, vector<16xi32>], vector<16xf32>, vector<16xi1>
        tpu.vector_store_idx %arg10[%broadcast_in_dim3A_177, %get3A_107], %gather3A_178 masked %lt3A_102 : memref<64x256xf32, #tpu.memory_space<vmem>>[vector<16xi32>, vector<16xi32>], vector<16xf32>, vector<16xi1>
        %broadcast_in_dim3A_179 = arith.constant 24 : i32
        %broadcast_in_dim3A_180 = vector.broadcast %broadcast_in_dim3A_179 : i32 to vector<16xi32>
        %gather3A_181 = tpu.vector_load_idx %arg9[%add3A_101, %broadcast_in_dim3A_180] masked %lt3A_102 : memref<256x64xf32, #tpu.memory_space<vmem>>[vector<16xi32>, vector<16xi32>], vector<16xf32>, vector<16xi1>
        tpu.vector_store_idx %arg10[%broadcast_in_dim3A_180, %get3A_107], %gather3A_181 masked %lt3A_102 : memref<64x256xf32, #tpu.memory_space<vmem>>[vector<16xi32>, vector<16xi32>], vector<16xf32>, vector<16xi1>
        %broadcast_in_dim3A_182 = arith.constant 25 : i32
        %broadcast_in_dim3A_183 = vector.broadcast %broadcast_in_dim3A_182 : i32 to vector<16xi32>
        %gather3A_184 = tpu.vector_load_idx %arg9[%add3A_101, %broadcast_in_dim3A_183] masked %lt3A_102 : memref<256x64xf32, #tpu.memory_space<vmem>>[vector<16xi32>, vector<16xi32>], vector<16xf32>, vector<16xi1>
        tpu.vector_store_idx %arg10[%broadcast_in_dim3A_183, %get3A_107], %gather3A_184 masked %lt3A_102 : memref<64x256xf32, #tpu.memory_space<vmem>>[vector<16xi32>, vector<16xi32>], vector<16xf32>, vector<16xi1>
        %broadcast_in_dim3A_185 = arith.constant 26 : i32
        %broadcast_in_dim3A_186 = vector.broadcast %broadcast_in_dim3A_185 : i32 to vector<16xi32>
        %gather3A_187 = tpu.vector_load_idx %arg9[%add3A_101, %broadcast_in_dim3A_186] masked %lt3A_102 : memref<256x64xf32, #tpu.memory_space<vmem>>[vector<16xi32>, vector<16xi32>], vector<16xf32>, vector<16xi1>
        tpu.vector_store_idx %arg10[%broadcast_in_dim3A_186, %get3A_107], %gather3A_187 masked %lt3A_102 : memref<64x256xf32, #tpu.memory_space<vmem>>[vector<16xi32>, vector<16xi32>], vector<16xf32>, vector<16xi1>
        %broadcast_in_dim3A_188 = arith.constant 27 : i32
        %broadcast_in_dim3A_189 = vector.broadcast %broadcast_in_dim3A_188 : i32 to vector<16xi32>
        %gather3A_190 = tpu.vector_load_idx %arg9[%add3A_101, %broadcast_in_dim3A_189] masked %lt3A_102 : memref<256x64xf32, #tpu.memory_space<vmem>>[vector<16xi32>, vector<16xi32>], vector<16xf32>, vector<16xi1>
        tpu.vector_store_idx %arg10[%broadcast_in_dim3A_189, %get3A_107], %gather3A_190 masked %lt3A_102 : memref<64x256xf32, #tpu.memory_space<vmem>>[vector<16xi32>, vector<16xi32>], vector<16xf32>, vector<16xi1>
        %broadcast_in_dim3A_191 = arith.constant 28 : i32
        %broadcast_in_dim3A_192 = vector.broadcast %broadcast_in_dim3A_191 : i32 to vector<16xi32>
        %gather3A_193 = tpu.vector_load_idx %arg9[%add3A_101, %broadcast_in_dim3A_192] masked %lt3A_102 : memref<256x64xf32, #tpu.memory_space<vmem>>[vector<16xi32>, vector<16xi32>], vector<16xf32>, vector<16xi1>
        tpu.vector_store_idx %arg10[%broadcast_in_dim3A_192, %get3A_107], %gather3A_193 masked %lt3A_102 : memref<64x256xf32, #tpu.memory_space<vmem>>[vector<16xi32>, vector<16xi32>], vector<16xf32>, vector<16xi1>
        %broadcast_in_dim3A_194 = arith.constant 29 : i32
        %broadcast_in_dim3A_195 = vector.broadcast %broadcast_in_dim3A_194 : i32 to vector<16xi32>
        %gather3A_196 = tpu.vector_load_idx %arg9[%add3A_101, %broadcast_in_dim3A_195] masked %lt3A_102 : memref<256x64xf32, #tpu.memory_space<vmem>>[vector<16xi32>, vector<16xi32>], vector<16xf32>, vector<16xi1>
        tpu.vector_store_idx %arg10[%broadcast_in_dim3A_195, %get3A_107], %gather3A_196 masked %lt3A_102 : memref<64x256xf32, #tpu.memory_space<vmem>>[vector<16xi32>, vector<16xi32>], vector<16xf32>, vector<16xi1>
        %broadcast_in_dim3A_197 = arith.constant 30 : i32
        %broadcast_in_dim3A_198 = vector.broadcast %broadcast_in_dim3A_197 : i32 to vector<16xi32>
        %gather3A_199 = tpu.vector_load_idx %arg9[%add3A_101, %broadcast_in_dim3A_198] masked %lt3A_102 : memref<256x64xf32, #tpu.memory_space<vmem>>[vector<16xi32>, vector<16xi32>], vector<16xf32>, vector<16xi1>
        tpu.vector_store_idx %arg10[%broadcast_in_dim3A_198, %get3A_107], %gather3A_199 masked %lt3A_102 : memref<64x256xf32, #tpu.memory_space<vmem>>[vector<16xi32>, vector<16xi32>], vector<16xf32>, vector<16xi1>
        %broadcast_in_dim3A_200 = arith.constant 31 : i32
        %broadcast_in_dim3A_201 = vector.broadcast %broadcast_in_dim3A_200 : i32 to vector<16xi32>
        %gather3A_202 = tpu.vector_load_idx %arg9[%add3A_101, %broadcast_in_dim3A_201] masked %lt3A_102 : memref<256x64xf32, #tpu.memory_space<vmem>>[vector<16xi32>, vector<16xi32>], vector<16xf32>, vector<16xi1>
        tpu.vector_store_idx %arg10[%broadcast_in_dim3A_201, %get3A_107], %gather3A_202 masked %lt3A_102 : memref<64x256xf32, #tpu.memory_space<vmem>>[vector<16xi32>, vector<16xi32>], vector<16xf32>, vector<16xi1>
        %broadcast_in_dim3A_203 = arith.constant 32 : i32
        %broadcast_in_dim3A_204 = vector.broadcast %broadcast_in_dim3A_203 : i32 to vector<16xi32>
        %gather3A_205 = tpu.vector_load_idx %arg9[%add3A_101, %broadcast_in_dim3A_204] masked %lt3A_102 : memref<256x64xf32, #tpu.memory_space<vmem>>[vector<16xi32>, vector<16xi32>], vector<16xf32>, vector<16xi1>
        tpu.vector_store_idx %arg10[%broadcast_in_dim3A_204, %get3A_107], %gather3A_205 masked %lt3A_102 : memref<64x256xf32, #tpu.memory_space<vmem>>[vector<16xi32>, vector<16xi32>], vector<16xf32>, vector<16xi1>
        %broadcast_in_dim3A_206 = arith.constant 33 : i32
        %broadcast_in_dim3A_207 = vector.broadcast %broadcast_in_dim3A_206 : i32 to vector<16xi32>
        %gather3A_208 = tpu.vector_load_idx %arg9[%add3A_101, %broadcast_in_dim3A_207] masked %lt3A_102 : memref<256x64xf32, #tpu.memory_space<vmem>>[vector<16xi32>, vector<16xi32>], vector<16xf32>, vector<16xi1>
        tpu.vector_store_idx %arg10[%broadcast_in_dim3A_207, %get3A_107], %gather3A_208 masked %lt3A_102 : memref<64x256xf32, #tpu.memory_space<vmem>>[vector<16xi32>, vector<16xi32>], vector<16xf32>, vector<16xi1>
        %broadcast_in_dim3A_209 = arith.constant 34 : i32
        %broadcast_in_dim3A_210 = vector.broadcast %broadcast_in_dim3A_209 : i32 to vector<16xi32>
        %gather3A_211 = tpu.vector_load_idx %arg9[%add3A_101, %broadcast_in_dim3A_210] masked %lt3A_102 : memref<256x64xf32, #tpu.memory_space<vmem>>[vector<16xi32>, vector<16xi32>], vector<16xf32>, vector<16xi1>
        tpu.vector_store_idx %arg10[%broadcast_in_dim3A_210, %get3A_107], %gather3A_211 masked %lt3A_102 : memref<64x256xf32, #tpu.memory_space<vmem>>[vector<16xi32>, vector<16xi32>], vector<16xf32>, vector<16xi1>
        %broadcast_in_dim3A_212 = arith.constant 35 : i32
        %broadcast_in_dim3A_213 = vector.broadcast %broadcast_in_dim3A_212 : i32 to vector<16xi32>
        %gather3A_214 = tpu.vector_load_idx %arg9[%add3A_101, %broadcast_in_dim3A_213] masked %lt3A_102 : memref<256x64xf32, #tpu.memory_space<vmem>>[vector<16xi32>, vector<16xi32>], vector<16xf32>, vector<16xi1>
        tpu.vector_store_idx %arg10[%broadcast_in_dim3A_213, %get3A_107], %gather3A_214 masked %lt3A_102 : memref<64x256xf32, #tpu.memory_space<vmem>>[vector<16xi32>, vector<16xi32>], vector<16xf32>, vector<16xi1>
        %broadcast_in_dim3A_215 = arith.constant 36 : i32
        %broadcast_in_dim3A_216 = vector.broadcast %broadcast_in_dim3A_215 : i32 to vector<16xi32>
        %gather3A_217 = tpu.vector_load_idx %arg9[%add3A_101, %broadcast_in_dim3A_216] masked %lt3A_102 : memref<256x64xf32, #tpu.memory_space<vmem>>[vector<16xi32>, vector<16xi32>], vector<16xf32>, vector<16xi1>
        tpu.vector_store_idx %arg10[%broadcast_in_dim3A_216, %get3A_107], %gather3A_217 masked %lt3A_102 : memref<64x256xf32, #tpu.memory_space<vmem>>[vector<16xi32>, vector<16xi32>], vector<16xf32>, vector<16xi1>
        %broadcast_in_dim3A_218 = arith.constant 37 : i32
        %broadcast_in_dim3A_219 = vector.broadcast %broadcast_in_dim3A_218 : i32 to vector<16xi32>
        %gather3A_220 = tpu.vector_load_idx %arg9[%add3A_101, %broadcast_in_dim3A_219] masked %lt3A_102 : memref<256x64xf32, #tpu.memory_space<vmem>>[vector<16xi32>, vector<16xi32>], vector<16xf32>, vector<16xi1>
        tpu.vector_store_idx %arg10[%broadcast_in_dim3A_219, %get3A_107], %gather3A_220 masked %lt3A_102 : memref<64x256xf32, #tpu.memory_space<vmem>>[vector<16xi32>, vector<16xi32>], vector<16xf32>, vector<16xi1>
        %broadcast_in_dim3A_221 = arith.constant 38 : i32
        %broadcast_in_dim3A_222 = vector.broadcast %broadcast_in_dim3A_221 : i32 to vector<16xi32>
        %gather3A_223 = tpu.vector_load_idx %arg9[%add3A_101, %broadcast_in_dim3A_222] masked %lt3A_102 : memref<256x64xf32, #tpu.memory_space<vmem>>[vector<16xi32>, vector<16xi32>], vector<16xf32>, vector<16xi1>
        tpu.vector_store_idx %arg10[%broadcast_in_dim3A_222, %get3A_107], %gather3A_223 masked %lt3A_102 : memref<64x256xf32, #tpu.memory_space<vmem>>[vector<16xi32>, vector<16xi32>], vector<16xf32>, vector<16xi1>
        %broadcast_in_dim3A_224 = arith.constant 39 : i32
        %broadcast_in_dim3A_225 = vector.broadcast %broadcast_in_dim3A_224 : i32 to vector<16xi32>
        %gather3A_226 = tpu.vector_load_idx %arg9[%add3A_101, %broadcast_in_dim3A_225] masked %lt3A_102 : memref<256x64xf32, #tpu.memory_space<vmem>>[vector<16xi32>, vector<16xi32>], vector<16xf32>, vector<16xi1>
        tpu.vector_store_idx %arg10[%broadcast_in_dim3A_225, %get3A_107], %gather3A_226 masked %lt3A_102 : memref<64x256xf32, #tpu.memory_space<vmem>>[vector<16xi32>, vector<16xi32>], vector<16xf32>, vector<16xi1>
        %broadcast_in_dim3A_227 = arith.constant 40 : i32
        %broadcast_in_dim3A_228 = vector.broadcast %broadcast_in_dim3A_227 : i32 to vector<16xi32>
        %gather3A_229 = tpu.vector_load_idx %arg9[%add3A_101, %broadcast_in_dim3A_228] masked %lt3A_102 : memref<256x64xf32, #tpu.memory_space<vmem>>[vector<16xi32>, vector<16xi32>], vector<16xf32>, vector<16xi1>
        tpu.vector_store_idx %arg10[%broadcast_in_dim3A_228, %get3A_107], %gather3A_229 masked %lt3A_102 : memref<64x256xf32, #tpu.memory_space<vmem>>[vector<16xi32>, vector<16xi32>], vector<16xf32>, vector<16xi1>
        %broadcast_in_dim3A_230 = arith.constant 41 : i32
        %broadcast_in_dim3A_231 = vector.broadcast %broadcast_in_dim3A_230 : i32 to vector<16xi32>
        %gather3A_232 = tpu.vector_load_idx %arg9[%add3A_101, %broadcast_in_dim3A_231] masked %lt3A_102 : memref<256x64xf32, #tpu.memory_space<vmem>>[vector<16xi32>, vector<16xi32>], vector<16xf32>, vector<16xi1>
        tpu.vector_store_idx %arg10[%broadcast_in_dim3A_231, %get3A_107], %gather3A_232 masked %lt3A_102 : memref<64x256xf32, #tpu.memory_space<vmem>>[vector<16xi32>, vector<16xi32>], vector<16xf32>, vector<16xi1>
        %broadcast_in_dim3A_233 = arith.constant 42 : i32
        %broadcast_in_dim3A_234 = vector.broadcast %broadcast_in_dim3A_233 : i32 to vector<16xi32>
        %gather3A_235 = tpu.vector_load_idx %arg9[%add3A_101, %broadcast_in_dim3A_234] masked %lt3A_102 : memref<256x64xf32, #tpu.memory_space<vmem>>[vector<16xi32>, vector<16xi32>], vector<16xf32>, vector<16xi1>
        tpu.vector_store_idx %arg10[%broadcast_in_dim3A_234, %get3A_107], %gather3A_235 masked %lt3A_102 : memref<64x256xf32, #tpu.memory_space<vmem>>[vector<16xi32>, vector<16xi32>], vector<16xf32>, vector<16xi1>
        %broadcast_in_dim3A_236 = arith.constant 43 : i32
        %broadcast_in_dim3A_237 = vector.broadcast %broadcast_in_dim3A_236 : i32 to vector<16xi32>
        %gather3A_238 = tpu.vector_load_idx %arg9[%add3A_101, %broadcast_in_dim3A_237] masked %lt3A_102 : memref<256x64xf32, #tpu.memory_space<vmem>>[vector<16xi32>, vector<16xi32>], vector<16xf32>, vector<16xi1>
        tpu.vector_store_idx %arg10[%broadcast_in_dim3A_237, %get3A_107], %gather3A_238 masked %lt3A_102 : memref<64x256xf32, #tpu.memory_space<vmem>>[vector<16xi32>, vector<16xi32>], vector<16xf32>, vector<16xi1>
        %broadcast_in_dim3A_239 = arith.constant 44 : i32
        %broadcast_in_dim3A_240 = vector.broadcast %broadcast_in_dim3A_239 : i32 to vector<16xi32>
        %gather3A_241 = tpu.vector_load_idx %arg9[%add3A_101, %broadcast_in_dim3A_240] masked %lt3A_102 : memref<256x64xf32, #tpu.memory_space<vmem>>[vector<16xi32>, vector<16xi32>], vector<16xf32>, vector<16xi1>
        tpu.vector_store_idx %arg10[%broadcast_in_dim3A_240, %get3A_107], %gather3A_241 masked %lt3A_102 : memref<64x256xf32, #tpu.memory_space<vmem>>[vector<16xi32>, vector<16xi32>], vector<16xf32>, vector<16xi1>
        %broadcast_in_dim3A_242 = arith.constant 45 : i32
        %broadcast_in_dim3A_243 = vector.broadcast %broadcast_in_dim3A_242 : i32 to vector<16xi32>
        %gather3A_244 = tpu.vector_load_idx %arg9[%add3A_101, %broadcast_in_dim3A_243] masked %lt3A_102 : memref<256x64xf32, #tpu.memory_space<vmem>>[vector<16xi32>, vector<16xi32>], vector<16xf32>, vector<16xi1>
        tpu.vector_store_idx %arg10[%broadcast_in_dim3A_243, %get3A_107], %gather3A_244 masked %lt3A_102 : memref<64x256xf32, #tpu.memory_space<vmem>>[vector<16xi32>, vector<16xi32>], vector<16xf32>, vector<16xi1>
        %broadcast_in_dim3A_245 = arith.constant 46 : i32
        %broadcast_in_dim3A_246 = vector.broadcast %broadcast_in_dim3A_245 : i32 to vector<16xi32>
        %gather3A_247 = tpu.vector_load_idx %arg9[%add3A_101, %broadcast_in_dim3A_246] masked %lt3A_102 : memref<256x64xf32, #tpu.memory_space<vmem>>[vector<16xi32>, vector<16xi32>], vector<16xf32>, vector<16xi1>
        tpu.vector_store_idx %arg10[%broadcast_in_dim3A_246, %get3A_107], %gather3A_247 masked %lt3A_102 : memref<64x256xf32, #tpu.memory_space<vmem>>[vector<16xi32>, vector<16xi32>], vector<16xf32>, vector<16xi1>
        %broadcast_in_dim3A_248 = arith.constant 47 : i32
        %broadcast_in_dim3A_249 = vector.broadcast %broadcast_in_dim3A_248 : i32 to vector<16xi32>
        %gather3A_250 = tpu.vector_load_idx %arg9[%add3A_101, %broadcast_in_dim3A_249] masked %lt3A_102 : memref<256x64xf32, #tpu.memory_space<vmem>>[vector<16xi32>, vector<16xi32>], vector<16xf32>, vector<16xi1>
        tpu.vector_store_idx %arg10[%broadcast_in_dim3A_249, %get3A_107], %gather3A_250 masked %lt3A_102 : memref<64x256xf32, #tpu.memory_space<vmem>>[vector<16xi32>, vector<16xi32>], vector<16xf32>, vector<16xi1>
        %broadcast_in_dim3A_251 = arith.constant 48 : i32
        %broadcast_in_dim3A_252 = vector.broadcast %broadcast_in_dim3A_251 : i32 to vector<16xi32>
        %gather3A_253 = tpu.vector_load_idx %arg9[%add3A_101, %broadcast_in_dim3A_252] masked %lt3A_102 : memref<256x64xf32, #tpu.memory_space<vmem>>[vector<16xi32>, vector<16xi32>], vector<16xf32>, vector<16xi1>
        tpu.vector_store_idx %arg10[%broadcast_in_dim3A_252, %get3A_107], %gather3A_253 masked %lt3A_102 : memref<64x256xf32, #tpu.memory_space<vmem>>[vector<16xi32>, vector<16xi32>], vector<16xf32>, vector<16xi1>
        %broadcast_in_dim3A_254 = arith.constant 49 : i32
        %broadcast_in_dim3A_255 = vector.broadcast %broadcast_in_dim3A_254 : i32 to vector<16xi32>
        %gather3A_256 = tpu.vector_load_idx %arg9[%add3A_101, %broadcast_in_dim3A_255] masked %lt3A_102 : memref<256x64xf32, #tpu.memory_space<vmem>>[vector<16xi32>, vector<16xi32>], vector<16xf32>, vector<16xi1>
        tpu.vector_store_idx %arg10[%broadcast_in_dim3A_255, %get3A_107], %gather3A_256 masked %lt3A_102 : memref<64x256xf32, #tpu.memory_space<vmem>>[vector<16xi32>, vector<16xi32>], vector<16xf32>, vector<16xi1>
        %broadcast_in_dim3A_257 = arith.constant 50 : i32
        %broadcast_in_dim3A_258 = vector.broadcast %broadcast_in_dim3A_257 : i32 to vector<16xi32>
        %gather3A_259 = tpu.vector_load_idx %arg9[%add3A_101, %broadcast_in_dim3A_258] masked %lt3A_102 : memref<256x64xf32, #tpu.memory_space<vmem>>[vector<16xi32>, vector<16xi32>], vector<16xf32>, vector<16xi1>
        tpu.vector_store_idx %arg10[%broadcast_in_dim3A_258, %get3A_107], %gather3A_259 masked %lt3A_102 : memref<64x256xf32, #tpu.memory_space<vmem>>[vector<16xi32>, vector<16xi32>], vector<16xf32>, vector<16xi1>
        %broadcast_in_dim3A_260 = arith.constant 51 : i32
        %broadcast_in_dim3A_261 = vector.broadcast %broadcast_in_dim3A_260 : i32 to vector<16xi32>
        %gather3A_262 = tpu.vector_load_idx %arg9[%add3A_101, %broadcast_in_dim3A_261] masked %lt3A_102 : memref<256x64xf32, #tpu.memory_space<vmem>>[vector<16xi32>, vector<16xi32>], vector<16xf32>, vector<16xi1>
        tpu.vector_store_idx %arg10[%broadcast_in_dim3A_261, %get3A_107], %gather3A_262 masked %lt3A_102 : memref<64x256xf32, #tpu.memory_space<vmem>>[vector<16xi32>, vector<16xi32>], vector<16xf32>, vector<16xi1>
        %broadcast_in_dim3A_263 = arith.constant 52 : i32
        %broadcast_in_dim3A_264 = vector.broadcast %broadcast_in_dim3A_263 : i32 to vector<16xi32>
        %gather3A_265 = tpu.vector_load_idx %arg9[%add3A_101, %broadcast_in_dim3A_264] masked %lt3A_102 : memref<256x64xf32, #tpu.memory_space<vmem>>[vector<16xi32>, vector<16xi32>], vector<16xf32>, vector<16xi1>
        tpu.vector_store_idx %arg10[%broadcast_in_dim3A_264, %get3A_107], %gather3A_265 masked %lt3A_102 : memref<64x256xf32, #tpu.memory_space<vmem>>[vector<16xi32>, vector<16xi32>], vector<16xf32>, vector<16xi1>
        %broadcast_in_dim3A_266 = arith.constant 53 : i32
        %broadcast_in_dim3A_267 = vector.broadcast %broadcast_in_dim3A_266 : i32 to vector<16xi32>
        %gather3A_268 = tpu.vector_load_idx %arg9[%add3A_101, %broadcast_in_dim3A_267] masked %lt3A_102 : memref<256x64xf32, #tpu.memory_space<vmem>>[vector<16xi32>, vector<16xi32>], vector<16xf32>, vector<16xi1>
        tpu.vector_store_idx %arg10[%broadcast_in_dim3A_267, %get3A_107], %gather3A_268 masked %lt3A_102 : memref<64x256xf32, #tpu.memory_space<vmem>>[vector<16xi32>, vector<16xi32>], vector<16xf32>, vector<16xi1>
        %broadcast_in_dim3A_269 = arith.constant 54 : i32
        %broadcast_in_dim3A_270 = vector.broadcast %broadcast_in_dim3A_269 : i32 to vector<16xi32>
        %gather3A_271 = tpu.vector_load_idx %arg9[%add3A_101, %broadcast_in_dim3A_270] masked %lt3A_102 : memref<256x64xf32, #tpu.memory_space<vmem>>[vector<16xi32>, vector<16xi32>], vector<16xf32>, vector<16xi1>
        tpu.vector_store_idx %arg10[%broadcast_in_dim3A_270, %get3A_107], %gather3A_271 masked %lt3A_102 : memref<64x256xf32, #tpu.memory_space<vmem>>[vector<16xi32>, vector<16xi32>], vector<16xf32>, vector<16xi1>
        %broadcast_in_dim3A_272 = arith.constant 55 : i32
        %broadcast_in_dim3A_273 = vector.broadcast %broadcast_in_dim3A_272 : i32 to vector<16xi32>
        %gather3A_274 = tpu.vector_load_idx %arg9[%add3A_101, %broadcast_in_dim3A_273] masked %lt3A_102 : memref<256x64xf32, #tpu.memory_space<vmem>>[vector<16xi32>, vector<16xi32>], vector<16xf32>, vector<16xi1>
        tpu.vector_store_idx %arg10[%broadcast_in_dim3A_273, %get3A_107], %gather3A_274 masked %lt3A_102 : memref<64x256xf32, #tpu.memory_space<vmem>>[vector<16xi32>, vector<16xi32>], vector<16xf32>, vector<16xi1>
        %broadcast_in_dim3A_275 = arith.constant 56 : i32
        %broadcast_in_dim3A_276 = vector.broadcast %broadcast_in_dim3A_275 : i32 to vector<16xi32>
        %gather3A_277 = tpu.vector_load_idx %arg9[%add3A_101, %broadcast_in_dim3A_276] masked %lt3A_102 : memref<256x64xf32, #tpu.memory_space<vmem>>[vector<16xi32>, vector<16xi32>], vector<16xf32>, vector<16xi1>
        tpu.vector_store_idx %arg10[%broadcast_in_dim3A_276, %get3A_107], %gather3A_277 masked %lt3A_102 : memref<64x256xf32, #tpu.memory_space<vmem>>[vector<16xi32>, vector<16xi32>], vector<16xf32>, vector<16xi1>
        %broadcast_in_dim3A_278 = arith.constant 57 : i32
        %broadcast_in_dim3A_279 = vector.broadcast %broadcast_in_dim3A_278 : i32 to vector<16xi32>
        %gather3A_280 = tpu.vector_load_idx %arg9[%add3A_101, %broadcast_in_dim3A_279] masked %lt3A_102 : memref<256x64xf32, #tpu.memory_space<vmem>>[vector<16xi32>, vector<16xi32>], vector<16xf32>, vector<16xi1>
        tpu.vector_store_idx %arg10[%broadcast_in_dim3A_279, %get3A_107], %gather3A_280 masked %lt3A_102 : memref<64x256xf32, #tpu.memory_space<vmem>>[vector<16xi32>, vector<16xi32>], vector<16xf32>, vector<16xi1>
        %broadcast_in_dim3A_281 = arith.constant 58 : i32
        %broadcast_in_dim3A_282 = vector.broadcast %broadcast_in_dim3A_281 : i32 to vector<16xi32>
        %gather3A_283 = tpu.vector_load_idx %arg9[%add3A_101, %broadcast_in_dim3A_282] masked %lt3A_102 : memref<256x64xf32, #tpu.memory_space<vmem>>[vector<16xi32>, vector<16xi32>], vector<16xf32>, vector<16xi1>
        tpu.vector_store_idx %arg10[%broadcast_in_dim3A_282, %get3A_107], %gather3A_283 masked %lt3A_102 : memref<64x256xf32, #tpu.memory_space<vmem>>[vector<16xi32>, vector<16xi32>], vector<16xf32>, vector<16xi1>
        %broadcast_in_dim3A_284 = arith.constant 59 : i32
        %broadcast_in_dim3A_285 = vector.broadcast %broadcast_in_dim3A_284 : i32 to vector<16xi32>
        %gather3A_286 = tpu.vector_load_idx %arg9[%add3A_101, %broadcast_in_dim3A_285] masked %lt3A_102 : memref<256x64xf32, #tpu.memory_space<vmem>>[vector<16xi32>, vector<16xi32>], vector<16xf32>, vector<16xi1>
        tpu.vector_store_idx %arg10[%broadcast_in_dim3A_285, %get3A_107], %gather3A_286 masked %lt3A_102 : memref<64x256xf32, #tpu.memory_space<vmem>>[vector<16xi32>, vector<16xi32>], vector<16xf32>, vector<16xi1>
        %broadcast_in_dim3A_287 = arith.constant 60 : i32
        %broadcast_in_dim3A_288 = vector.broadcast %broadcast_in_dim3A_287 : i32 to vector<16xi32>
        %gather3A_289 = tpu.vector_load_idx %arg9[%add3A_101, %broadcast_in_dim3A_288] masked %lt3A_102 : memref<256x64xf32, #tpu.memory_space<vmem>>[vector<16xi32>, vector<16xi32>], vector<16xf32>, vector<16xi1>
        tpu.vector_store_idx %arg10[%broadcast_in_dim3A_288, %get3A_107], %gather3A_289 masked %lt3A_102 : memref<64x256xf32, #tpu.memory_space<vmem>>[vector<16xi32>, vector<16xi32>], vector<16xf32>, vector<16xi1>
        %broadcast_in_dim3A_290 = arith.constant 61 : i32
        %broadcast_in_dim3A_291 = vector.broadcast %broadcast_in_dim3A_290 : i32 to vector<16xi32>
        %gather3A_292 = tpu.vector_load_idx %arg9[%add3A_101, %broadcast_in_dim3A_291] masked %lt3A_102 : memref<256x64xf32, #tpu.memory_space<vmem>>[vector<16xi32>, vector<16xi32>], vector<16xf32>, vector<16xi1>
        tpu.vector_store_idx %arg10[%broadcast_in_dim3A_291, %get3A_107], %gather3A_292 masked %lt3A_102 : memref<64x256xf32, #tpu.memory_space<vmem>>[vector<16xi32>, vector<16xi32>], vector<16xf32>, vector<16xi1>
        %broadcast_in_dim3A_293 = arith.constant 62 : i32
        %broadcast_in_dim3A_294 = vector.broadcast %broadcast_in_dim3A_293 : i32 to vector<16xi32>
        %gather3A_295 = tpu.vector_load_idx %arg9[%add3A_101, %broadcast_in_dim3A_294] masked %lt3A_102 : memref<256x64xf32, #tpu.memory_space<vmem>>[vector<16xi32>, vector<16xi32>], vector<16xf32>, vector<16xi1>
        tpu.vector_store_idx %arg10[%broadcast_in_dim3A_294, %get3A_107], %gather3A_295 masked %lt3A_102 : memref<64x256xf32, #tpu.memory_space<vmem>>[vector<16xi32>, vector<16xi32>], vector<16xf32>, vector<16xi1>
        %broadcast_in_dim3A_296 = arith.constant 63 : i32
        %broadcast_in_dim3A_297 = vector.broadcast %broadcast_in_dim3A_296 : i32 to vector<16xi32>
        %gather3A_298 = tpu.vector_load_idx %arg9[%add3A_101, %broadcast_in_dim3A_297] masked %lt3A_102 : memref<256x64xf32, #tpu.memory_space<vmem>>[vector<16xi32>, vector<16xi32>], vector<16xf32>, vector<16xi1>
        tpu.vector_store_idx %arg10[%broadcast_in_dim3A_297, %get3A_107], %gather3A_298 masked %lt3A_102 : memref<64x256xf32, #tpu.memory_space<vmem>>[vector<16xi32>, vector<16xi32>], vector<16xf32>, vector<16xi1>
      }
      %and3A_83 = arith.constant 511 : i32
      %and3A_84 = arith.andi %multiple_of3A, %and3A_83 : i32
      %multiple_of3A_85 = tpu.assume_multiple %and3A_84, 256 : i32
      %shift_right_arithmetic3A = arith.constant 9 : i32
      %shift_right_arithmetic3A_86 = arith.shrsi %multiple_of3A, %shift_right_arithmetic3A : i32
      %run_scoped3A = arith.constant 0 : i32
      "tpu.region"() ({
        %run_scoped3A_97 = tpu.sem_alloc : memref<!tpu.dma_semaphore, #tpu.memory_space<semaphore_mem>>
        %dma_start3A = arith.constant 0 : i32
        %dma_start3A_98 = tpu.memref_slice %arg4[%run_scoped3A, %dma_start3A, %shift_right_arithmetic3A_86, %multiple_of3A_85] : memref<1x64x512x512xf32, #tpu.memory_space<hbm>> -> memref<1x64x1x256xf32, #tpu.memory_space<hbm>>
        %dma_start3A_99 = tpu.memref_squeeze %dma_start3A_98 : memref<1x64x1x256xf32, #tpu.memory_space<hbm>> -> memref<64x256xf32, #tpu.memory_space<hbm>>
        %dma_start3A_100 = arith.constant 0 : i32
        %dma_start3A_101 = tpu.memref_slice %arg4[%run_scoped3A, %dma_start3A_100, %shift_right_arithmetic3A_86, %multiple_of3A_85] : memref<1x64x512x512xf32, #tpu.memory_space<hbm>> -> memref<1x64x1x256xf32, #tpu.memory_space<hbm>>
        %dma_start3A_102 = tpu.memref_squeeze %dma_start3A_101 : memref<1x64x1x256xf32, #tpu.memory_space<hbm>> -> memref<64x256xf32, #tpu.memory_space<hbm>>
        tpu.enqueue_dma source(%arg10 : memref<64x256xf32, #tpu.memory_space<vmem>>) target(%dma_start3A_102 : memref<64x256xf32, #tpu.memory_space<hbm>>) target_semaphore(%run_scoped3A_97 : memref<!tpu.dma_semaphore, #tpu.memory_space<semaphore_mem>>)
        %dma_wait3A = arith.constant 0 : i32
        %dma_wait3A_103 = tpu.memref_slice %arg4[%run_scoped3A, %dma_wait3A, %shift_right_arithmetic3A_86, %multiple_of3A_85] : memref<1x64x512x512xf32, #tpu.memory_space<hbm>> -> memref<1x64x1x256xf32, #tpu.memory_space<hbm>>
        %dma_wait3A_104 = tpu.memref_squeeze %dma_wait3A_103 : memref<1x64x1x256xf32, #tpu.memory_space<hbm>> -> memref<64x256xf32, #tpu.memory_space<hbm>>
        %dma_wait3A_105 = arith.constant 0 : i32
        %dma_wait3A_106 = tpu.memref_slice %arg4[%run_scoped3A, %dma_wait3A_105, %shift_right_arithmetic3A_86, %multiple_of3A_85] : memref<1x64x512x512xf32, #tpu.memory_space<hbm>> -> memref<1x64x1x256xf32, #tpu.memory_space<hbm>>
        %dma_wait3A_107 = tpu.memref_squeeze %dma_wait3A_106 : memref<1x64x1x256xf32, #tpu.memory_space<hbm>> -> memref<64x256xf32, #tpu.memory_space<hbm>>
        tpu.wait_dma2 semaphore(%run_scoped3A_97 : memref<!tpu.dma_semaphore, #tpu.memory_space<semaphore_mem>>) src(%arg10 : memref<64x256xf32, #tpu.memory_space<vmem>>) dst(%dma_wait3A_107 : memref<64x256xf32, #tpu.memory_space<hbm>>)
        tpu.yield
      }) : () -> ()
      %while3A_87 = arith.constant 0 : i32
      %while3A_88 = arith.constant 0 : i32
      %while3A_89 = arith.subi %select_n3A, %while3A_88 : i32
      %while3A_90 = arith.addi %while3A_88, %while3A_89 : i32
      %while3A_91 = arith.constant 1 : i32
      %while3A_92 = arith.divsi %while3A_89, %while3A_91 : i32
      %while3A_93 = arith.muli %while3A_92, %while3A_91 : i32
      %while3A_94 = arith.addi %while3A_88, %while3A_93 : i32
      %while3A_95 = arith.constant 1 : i32
      scf.for %while3A_97 = %while3A_88 to %while3A_94 step %while3A_95  : i32 {
        %mul3A_98 = arith.constant 16 : i32
        %mul3A_99 = arith.muli %while3A_97, %mul3A_98 : i32
        %add3A_100 = vector.broadcast %mul3A_99 : i32 to vector<16xi32>
        %add3A_101 = arith.addi %add3A_100, %iota3A : vector<16xi32>
        %lt3A = vector.broadcast %get3A_35 : i32 to vector<16xi32>
        %lt3A_102 = arith.cmpi slt, %add3A_101, %lt3A : vector<16xi32>
        %mul3A_103 = arith.constant 16 : i32
        %mul3A_104 = arith.muli %while3A_97, %mul3A_103 : i32
        %get3A_105 = arith.index_cast %scan3A_34 : i32 to index
        %get3A_106 = arith.index_cast %mul3A_104 : i32 to index
        %get3A_107 = tpu.vector_load %arg7[%get3A_105, %get3A_106] {strides = array<i32>} : memref<32x256xi32, #tpu.memory_space<vmem>>, vector<16xi32>,
        %broadcast_in_dim3A_108 = arith.constant 0 : i32
        %broadcast_in_dim3A_109 = vector.broadcast %broadcast_in_dim3A_108 : i32 to vector<16xi32>
        tpu.vector_store_idx %arg10[%broadcast_in_dim3A_109, %get3A_107], %broadcast_in_dim3A_5 masked %lt3A_102 : memref<64x256xf32, #tpu.memory_space<vmem>>[vector<16xi32>, vector<16xi32>], vector<16xf32>, vector<16xi1>
        %broadcast_in_dim3A_110 = arith.constant 1 : i32
        %broadcast_in_dim3A_111 = vector.broadcast %broadcast_in_dim3A_110 : i32 to vector<16xi32>
        tpu.vector_store_idx %arg10[%broadcast_in_dim3A_111, %get3A_107], %broadcast_in_dim3A_5 masked %lt3A_102 : memref<64x256xf32, #tpu.memory_space<vmem>>[vector<16xi32>, vector<16xi32>], vector<16xf32>, vector<16xi1>
        %broadcast_in_dim3A_112 = arith.constant 2 : i32
        %broadcast_in_dim3A_113 = vector.broadcast %broadcast_in_dim3A_112 : i32 to vector<16xi32>
        tpu.vector_store_idx %arg10[%broadcast_in_dim3A_113, %get3A_107], %broadcast_in_dim3A_5 masked %lt3A_102 : memref<64x256xf32, #tpu.memory_space<vmem>>[vector<16xi32>, vector<16xi32>], vector<16xf32>, vector<16xi1>
        %broadcast_in_dim3A_114 = arith.constant 3 : i32
        %broadcast_in_dim3A_115 = vector.broadcast %broadcast_in_dim3A_114 : i32 to vector<16xi32>
        tpu.vector_store_idx %arg10[%broadcast_in_dim3A_115, %get3A_107], %broadcast_in_dim3A_5 masked %lt3A_102 : memref<64x256xf32, #tpu.memory_space<vmem>>[vector<16xi32>, vector<16xi32>], vector<16xf32>, vector<16xi1>
        %broadcast_in_dim3A_116 = arith.constant 4 : i32
        %broadcast_in_dim3A_117 = vector.broadcast %broadcast_in_dim3A_116 : i32 to vector<16xi32>
        tpu.vector_store_idx %arg10[%broadcast_in_dim3A_117, %get3A_107], %broadcast_in_dim3A_5 masked %lt3A_102 : memref<64x256xf32, #tpu.memory_space<vmem>>[vector<16xi32>, vector<16xi32>], vector<16xf32>, vector<16xi1>
        %broadcast_in_dim3A_118 = arith.constant 5 : i32
        %broadcast_in_dim3A_119 = vector.broadcast %broadcast_in_dim3A_118 : i32 to vector<16xi32>
        tpu.vector_store_idx %arg10[%broadcast_in_dim3A_119, %get3A_107], %broadcast_in_dim3A_5 masked %lt3A_102 : memref<64x256xf32, #tpu.memory_space<vmem>>[vector<16xi32>, vector<16xi32>], vector<16xf32>, vector<16xi1>
        %broadcast_in_dim3A_120 = arith.constant 6 : i32
        %broadcast_in_dim3A_121 = vector.broadcast %broadcast_in_dim3A_120 : i32 to vector<16xi32>
        tpu.vector_store_idx %arg10[%broadcast_in_dim3A_121, %get3A_107], %broadcast_in_dim3A_5 masked %lt3A_102 : memref<64x256xf32, #tpu.memory_space<vmem>>[vector<16xi32>, vector<16xi32>], vector<16xf32>, vector<16xi1>
        %broadcast_in_dim3A_122 = arith.constant 7 : i32
        %broadcast_in_dim3A_123 = vector.broadcast %broadcast_in_dim3A_122 : i32 to vector<16xi32>
        tpu.vector_store_idx %arg10[%broadcast_in_dim3A_123, %get3A_107], %broadcast_in_dim3A_5 masked %lt3A_102 : memref<64x256xf32, #tpu.memory_space<vmem>>[vector<16xi32>, vector<16xi32>], vector<16xf32>, vector<16xi1>
        %broadcast_in_dim3A_124 = arith.constant 8 : i32
        %broadcast_in_dim3A_125 = vector.broadcast %broadcast_in_dim3A_124 : i32 to vector<16xi32>
        tpu.vector_store_idx %arg10[%broadcast_in_dim3A_125, %get3A_107], %broadcast_in_dim3A_5 masked %lt3A_102 : memref<64x256xf32, #tpu.memory_space<vmem>>[vector<16xi32>, vector<16xi32>], vector<16xf32>, vector<16xi1>
        %broadcast_in_dim3A_126 = arith.constant 9 : i32
        %broadcast_in_dim3A_127 = vector.broadcast %broadcast_in_dim3A_126 : i32 to vector<16xi32>
        tpu.vector_store_idx %arg10[%broadcast_in_dim3A_127, %get3A_107], %broadcast_in_dim3A_5 masked %lt3A_102 : memref<64x256xf32, #tpu.memory_space<vmem>>[vector<16xi32>, vector<16xi32>], vector<16xf32>, vector<16xi1>
        %broadcast_in_dim3A_128 = arith.constant 10 : i32
        %broadcast_in_dim3A_129 = vector.broadcast %broadcast_in_dim3A_128 : i32 to vector<16xi32>
        tpu.vector_store_idx %arg10[%broadcast_in_dim3A_129, %get3A_107], %broadcast_in_dim3A_5 masked %lt3A_102 : memref<64x256xf32, #tpu.memory_space<vmem>>[vector<16xi32>, vector<16xi32>], vector<16xf32>, vector<16xi1>
        %broadcast_in_dim3A_130 = arith.constant 11 : i32
        %broadcast_in_dim3A_131 = vector.broadcast %broadcast_in_dim3A_130 : i32 to vector<16xi32>
        tpu.vector_store_idx %arg10[%broadcast_in_dim3A_131, %get3A_107], %broadcast_in_dim3A_5 masked %lt3A_102 : memref<64x256xf32, #tpu.memory_space<vmem>>[vector<16xi32>, vector<16xi32>], vector<16xf32>, vector<16xi1>
        %broadcast_in_dim3A_132 = arith.constant 12 : i32
        %broadcast_in_dim3A_133 = vector.broadcast %broadcast_in_dim3A_132 : i32 to vector<16xi32>
        tpu.vector_store_idx %arg10[%broadcast_in_dim3A_133, %get3A_107], %broadcast_in_dim3A_5 masked %lt3A_102 : memref<64x256xf32, #tpu.memory_space<vmem>>[vector<16xi32>, vector<16xi32>], vector<16xf32>, vector<16xi1>
        %broadcast_in_dim3A_134 = arith.constant 13 : i32
        %broadcast_in_dim3A_135 = vector.broadcast %broadcast_in_dim3A_134 : i32 to vector<16xi32>
        tpu.vector_store_idx %arg10[%broadcast_in_dim3A_135, %get3A_107], %broadcast_in_dim3A_5 masked %lt3A_102 : memref<64x256xf32, #tpu.memory_space<vmem>>[vector<16xi32>, vector<16xi32>], vector<16xf32>, vector<16xi1>
        %broadcast_in_dim3A_136 = arith.constant 14 : i32
        %broadcast_in_dim3A_137 = vector.broadcast %broadcast_in_dim3A_136 : i32 to vector<16xi32>
        tpu.vector_store_idx %arg10[%broadcast_in_dim3A_137, %get3A_107], %broadcast_in_dim3A_5 masked %lt3A_102 : memref<64x256xf32, #tpu.memory_space<vmem>>[vector<16xi32>, vector<16xi32>], vector<16xf32>, vector<16xi1>
        %broadcast_in_dim3A_138 = arith.constant 15 : i32
        %broadcast_in_dim3A_139 = vector.broadcast %broadcast_in_dim3A_138 : i32 to vector<16xi32>
        tpu.vector_store_idx %arg10[%broadcast_in_dim3A_139, %get3A_107], %broadcast_in_dim3A_5 masked %lt3A_102 : memref<64x256xf32, #tpu.memory_space<vmem>>[vector<16xi32>, vector<16xi32>], vector<16xf32>, vector<16xi1>
        %broadcast_in_dim3A_140 = arith.constant 16 : i32
        %broadcast_in_dim3A_141 = vector.broadcast %broadcast_in_dim3A_140 : i32 to vector<16xi32>
        tpu.vector_store_idx %arg10[%broadcast_in_dim3A_141, %get3A_107], %broadcast_in_dim3A_5 masked %lt3A_102 : memref<64x256xf32, #tpu.memory_space<vmem>>[vector<16xi32>, vector<16xi32>], vector<16xf32>, vector<16xi1>
        %broadcast_in_dim3A_142 = arith.constant 17 : i32
        %broadcast_in_dim3A_143 = vector.broadcast %broadcast_in_dim3A_142 : i32 to vector<16xi32>
        tpu.vector_store_idx %arg10[%broadcast_in_dim3A_143, %get3A_107], %broadcast_in_dim3A_5 masked %lt3A_102 : memref<64x256xf32, #tpu.memory_space<vmem>>[vector<16xi32>, vector<16xi32>], vector<16xf32>, vector<16xi1>
        %broadcast_in_dim3A_144 = arith.constant 18 : i32
        %broadcast_in_dim3A_145 = vector.broadcast %broadcast_in_dim3A_144 : i32 to vector<16xi32>
        tpu.vector_store_idx %arg10[%broadcast_in_dim3A_145, %get3A_107], %broadcast_in_dim3A_5 masked %lt3A_102 : memref<64x256xf32, #tpu.memory_space<vmem>>[vector<16xi32>, vector<16xi32>], vector<16xf32>, vector<16xi1>
        %broadcast_in_dim3A_146 = arith.constant 19 : i32
        %broadcast_in_dim3A_147 = vector.broadcast %broadcast_in_dim3A_146 : i32 to vector<16xi32>
        tpu.vector_store_idx %arg10[%broadcast_in_dim3A_147, %get3A_107], %broadcast_in_dim3A_5 masked %lt3A_102 : memref<64x256xf32, #tpu.memory_space<vmem>>[vector<16xi32>, vector<16xi32>], vector<16xf32>, vector<16xi1>
        %broadcast_in_dim3A_148 = arith.constant 20 : i32
        %broadcast_in_dim3A_149 = vector.broadcast %broadcast_in_dim3A_148 : i32 to vector<16xi32>
        tpu.vector_store_idx %arg10[%broadcast_in_dim3A_149, %get3A_107], %broadcast_in_dim3A_5 masked %lt3A_102 : memref<64x256xf32, #tpu.memory_space<vmem>>[vector<16xi32>, vector<16xi32>], vector<16xf32>, vector<16xi1>
        %broadcast_in_dim3A_150 = arith.constant 21 : i32
        %broadcast_in_dim3A_151 = vector.broadcast %broadcast_in_dim3A_150 : i32 to vector<16xi32>
        tpu.vector_store_idx %arg10[%broadcast_in_dim3A_151, %get3A_107], %broadcast_in_dim3A_5 masked %lt3A_102 : memref<64x256xf32, #tpu.memory_space<vmem>>[vector<16xi32>, vector<16xi32>], vector<16xf32>, vector<16xi1>
        %broadcast_in_dim3A_152 = arith.constant 22 : i32
        %broadcast_in_dim3A_153 = vector.broadcast %broadcast_in_dim3A_152 : i32 to vector<16xi32>
        tpu.vector_store_idx %arg10[%broadcast_in_dim3A_153, %get3A_107], %broadcast_in_dim3A_5 masked %lt3A_102 : memref<64x256xf32, #tpu.memory_space<vmem>>[vector<16xi32>, vector<16xi32>], vector<16xf32>, vector<16xi1>
        %broadcast_in_dim3A_154 = arith.constant 23 : i32
        %broadcast_in_dim3A_155 = vector.broadcast %broadcast_in_dim3A_154 : i32 to vector<16xi32>
        tpu.vector_store_idx %arg10[%broadcast_in_dim3A_155, %get3A_107], %broadcast_in_dim3A_5 masked %lt3A_102 : memref<64x256xf32, #tpu.memory_space<vmem>>[vector<16xi32>, vector<16xi32>], vector<16xf32>, vector<16xi1>
        %broadcast_in_dim3A_156 = arith.constant 24 : i32
        %broadcast_in_dim3A_157 = vector.broadcast %broadcast_in_dim3A_156 : i32 to vector<16xi32>
        tpu.vector_store_idx %arg10[%broadcast_in_dim3A_157, %get3A_107], %broadcast_in_dim3A_5 masked %lt3A_102 : memref<64x256xf32, #tpu.memory_space<vmem>>[vector<16xi32>, vector<16xi32>], vector<16xf32>, vector<16xi1>
        %broadcast_in_dim3A_158 = arith.constant 25 : i32
        %broadcast_in_dim3A_159 = vector.broadcast %broadcast_in_dim3A_158 : i32 to vector<16xi32>
        tpu.vector_store_idx %arg10[%broadcast_in_dim3A_159, %get3A_107], %broadcast_in_dim3A_5 masked %lt3A_102 : memref<64x256xf32, #tpu.memory_space<vmem>>[vector<16xi32>, vector<16xi32>], vector<16xf32>, vector<16xi1>
        %broadcast_in_dim3A_160 = arith.constant 26 : i32
        %broadcast_in_dim3A_161 = vector.broadcast %broadcast_in_dim3A_160 : i32 to vector<16xi32>
        tpu.vector_store_idx %arg10[%broadcast_in_dim3A_161, %get3A_107], %broadcast_in_dim3A_5 masked %lt3A_102 : memref<64x256xf32, #tpu.memory_space<vmem>>[vector<16xi32>, vector<16xi32>], vector<16xf32>, vector<16xi1>
        %broadcast_in_dim3A_162 = arith.constant 27 : i32
        %broadcast_in_dim3A_163 = vector.broadcast %broadcast_in_dim3A_162 : i32 to vector<16xi32>
        tpu.vector_store_idx %arg10[%broadcast_in_dim3A_163, %get3A_107], %broadcast_in_dim3A_5 masked %lt3A_102 : memref<64x256xf32, #tpu.memory_space<vmem>>[vector<16xi32>, vector<16xi32>], vector<16xf32>, vector<16xi1>
        %broadcast_in_dim3A_164 = arith.constant 28 : i32
        %broadcast_in_dim3A_165 = vector.broadcast %broadcast_in_dim3A_164 : i32 to vector<16xi32>
        tpu.vector_store_idx %arg10[%broadcast_in_dim3A_165, %get3A_107], %broadcast_in_dim3A_5 masked %lt3A_102 : memref<64x256xf32, #tpu.memory_space<vmem>>[vector<16xi32>, vector<16xi32>], vector<16xf32>, vector<16xi1>
        %broadcast_in_dim3A_166 = arith.constant 29 : i32
        %broadcast_in_dim3A_167 = vector.broadcast %broadcast_in_dim3A_166 : i32 to vector<16xi32>
        tpu.vector_store_idx %arg10[%broadcast_in_dim3A_167, %get3A_107], %broadcast_in_dim3A_5 masked %lt3A_102 : memref<64x256xf32, #tpu.memory_space<vmem>>[vector<16xi32>, vector<16xi32>], vector<16xf32>, vector<16xi1>
        %broadcast_in_dim3A_168 = arith.constant 30 : i32
        %broadcast_in_dim3A_169 = vector.broadcast %broadcast_in_dim3A_168 : i32 to vector<16xi32>
        tpu.vector_store_idx %arg10[%broadcast_in_dim3A_169, %get3A_107], %broadcast_in_dim3A_5 masked %lt3A_102 : memref<64x256xf32, #tpu.memory_space<vmem>>[vector<16xi32>, vector<16xi32>], vector<16xf32>, vector<16xi1>
        %broadcast_in_dim3A_170 = arith.constant 31 : i32
        %broadcast_in_dim3A_171 = vector.broadcast %broadcast_in_dim3A_170 : i32 to vector<16xi32>
        tpu.vector_store_idx %arg10[%broadcast_in_dim3A_171, %get3A_107], %broadcast_in_dim3A_5 masked %lt3A_102 : memref<64x256xf32, #tpu.memory_space<vmem>>[vector<16xi32>, vector<16xi32>], vector<16xf32>, vector<16xi1>
        %broadcast_in_dim3A_172 = arith.constant 32 : i32
        %broadcast_in_dim3A_173 = vector.broadcast %broadcast_in_dim3A_172 : i32 to vector<16xi32>
        tpu.vector_store_idx %arg10[%broadcast_in_dim3A_173, %get3A_107], %broadcast_in_dim3A_5 masked %lt3A_102 : memref<64x256xf32, #tpu.memory_space<vmem>>[vector<16xi32>, vector<16xi32>], vector<16xf32>, vector<16xi1>
        %broadcast_in_dim3A_174 = arith.constant 33 : i32
        %broadcast_in_dim3A_175 = vector.broadcast %broadcast_in_dim3A_174 : i32 to vector<16xi32>
        tpu.vector_store_idx %arg10[%broadcast_in_dim3A_175, %get3A_107], %broadcast_in_dim3A_5 masked %lt3A_102 : memref<64x256xf32, #tpu.memory_space<vmem>>[vector<16xi32>, vector<16xi32>], vector<16xf32>, vector<16xi1>
        %broadcast_in_dim3A_176 = arith.constant 34 : i32
        %broadcast_in_dim3A_177 = vector.broadcast %broadcast_in_dim3A_176 : i32 to vector<16xi32>
        tpu.vector_store_idx %arg10[%broadcast_in_dim3A_177, %get3A_107], %broadcast_in_dim3A_5 masked %lt3A_102 : memref<64x256xf32, #tpu.memory_space<vmem>>[vector<16xi32>, vector<16xi32>], vector<16xf32>, vector<16xi1>
        %broadcast_in_dim3A_178 = arith.constant 35 : i32
        %broadcast_in_dim3A_179 = vector.broadcast %broadcast_in_dim3A_178 : i32 to vector<16xi32>
        tpu.vector_store_idx %arg10[%broadcast_in_dim3A_179, %get3A_107], %broadcast_in_dim3A_5 masked %lt3A_102 : memref<64x256xf32, #tpu.memory_space<vmem>>[vector<16xi32>, vector<16xi32>], vector<16xf32>, vector<16xi1>
        %broadcast_in_dim3A_180 = arith.constant 36 : i32
        %broadcast_in_dim3A_181 = vector.broadcast %broadcast_in_dim3A_180 : i32 to vector<16xi32>
        tpu.vector_store_idx %arg10[%broadcast_in_dim3A_181, %get3A_107], %broadcast_in_dim3A_5 masked %lt3A_102 : memref<64x256xf32, #tpu.memory_space<vmem>>[vector<16xi32>, vector<16xi32>], vector<16xf32>, vector<16xi1>
        %broadcast_in_dim3A_182 = arith.constant 37 : i32
        %broadcast_in_dim3A_183 = vector.broadcast %broadcast_in_dim3A_182 : i32 to vector<16xi32>
        tpu.vector_store_idx %arg10[%broadcast_in_dim3A_183, %get3A_107], %broadcast_in_dim3A_5 masked %lt3A_102 : memref<64x256xf32, #tpu.memory_space<vmem>>[vector<16xi32>, vector<16xi32>], vector<16xf32>, vector<16xi1>
        %broadcast_in_dim3A_184 = arith.constant 38 : i32
        %broadcast_in_dim3A_185 = vector.broadcast %broadcast_in_dim3A_184 : i32 to vector<16xi32>
        tpu.vector_store_idx %arg10[%broadcast_in_dim3A_185, %get3A_107], %broadcast_in_dim3A_5 masked %lt3A_102 : memref<64x256xf32, #tpu.memory_space<vmem>>[vector<16xi32>, vector<16xi32>], vector<16xf32>, vector<16xi1>
        %broadcast_in_dim3A_186 = arith.constant 39 : i32
        %broadcast_in_dim3A_187 = vector.broadcast %broadcast_in_dim3A_186 : i32 to vector<16xi32>
        tpu.vector_store_idx %arg10[%broadcast_in_dim3A_187, %get3A_107], %broadcast_in_dim3A_5 masked %lt3A_102 : memref<64x256xf32, #tpu.memory_space<vmem>>[vector<16xi32>, vector<16xi32>], vector<16xf32>, vector<16xi1>
        %broadcast_in_dim3A_188 = arith.constant 40 : i32
        %broadcast_in_dim3A_189 = vector.broadcast %broadcast_in_dim3A_188 : i32 to vector<16xi32>
        tpu.vector_store_idx %arg10[%broadcast_in_dim3A_189, %get3A_107], %broadcast_in_dim3A_5 masked %lt3A_102 : memref<64x256xf32, #tpu.memory_space<vmem>>[vector<16xi32>, vector<16xi32>], vector<16xf32>, vector<16xi1>
        %broadcast_in_dim3A_190 = arith.constant 41 : i32
        %broadcast_in_dim3A_191 = vector.broadcast %broadcast_in_dim3A_190 : i32 to vector<16xi32>
        tpu.vector_store_idx %arg10[%broadcast_in_dim3A_191, %get3A_107], %broadcast_in_dim3A_5 masked %lt3A_102 : memref<64x256xf32, #tpu.memory_space<vmem>>[vector<16xi32>, vector<16xi32>], vector<16xf32>, vector<16xi1>
        %broadcast_in_dim3A_192 = arith.constant 42 : i32
        %broadcast_in_dim3A_193 = vector.broadcast %broadcast_in_dim3A_192 : i32 to vector<16xi32>
        tpu.vector_store_idx %arg10[%broadcast_in_dim3A_193, %get3A_107], %broadcast_in_dim3A_5 masked %lt3A_102 : memref<64x256xf32, #tpu.memory_space<vmem>>[vector<16xi32>, vector<16xi32>], vector<16xf32>, vector<16xi1>
        %broadcast_in_dim3A_194 = arith.constant 43 : i32
        %broadcast_in_dim3A_195 = vector.broadcast %broadcast_in_dim3A_194 : i32 to vector<16xi32>
        tpu.vector_store_idx %arg10[%broadcast_in_dim3A_195, %get3A_107], %broadcast_in_dim3A_5 masked %lt3A_102 : memref<64x256xf32, #tpu.memory_space<vmem>>[vector<16xi32>, vector<16xi32>], vector<16xf32>, vector<16xi1>
        %broadcast_in_dim3A_196 = arith.constant 44 : i32
        %broadcast_in_dim3A_197 = vector.broadcast %broadcast_in_dim3A_196 : i32 to vector<16xi32>
        tpu.vector_store_idx %arg10[%broadcast_in_dim3A_197, %get3A_107], %broadcast_in_dim3A_5 masked %lt3A_102 : memref<64x256xf32, #tpu.memory_space<vmem>>[vector<16xi32>, vector<16xi32>], vector<16xf32>, vector<16xi1>
        %broadcast_in_dim3A_198 = arith.constant 45 : i32
        %broadcast_in_dim3A_199 = vector.broadcast %broadcast_in_dim3A_198 : i32 to vector<16xi32>
        tpu.vector_store_idx %arg10[%broadcast_in_dim3A_199, %get3A_107], %broadcast_in_dim3A_5 masked %lt3A_102 : memref<64x256xf32, #tpu.memory_space<vmem>>[vector<16xi32>, vector<16xi32>], vector<16xf32>, vector<16xi1>
        %broadcast_in_dim3A_200 = arith.constant 46 : i32
        %broadcast_in_dim3A_201 = vector.broadcast %broadcast_in_dim3A_200 : i32 to vector<16xi32>
        tpu.vector_store_idx %arg10[%broadcast_in_dim3A_201, %get3A_107], %broadcast_in_dim3A_5 masked %lt3A_102 : memref<64x256xf32, #tpu.memory_space<vmem>>[vector<16xi32>, vector<16xi32>], vector<16xf32>, vector<16xi1>
        %broadcast_in_dim3A_202 = arith.constant 47 : i32
        %broadcast_in_dim3A_203 = vector.broadcast %broadcast_in_dim3A_202 : i32 to vector<16xi32>
        tpu.vector_store_idx %arg10[%broadcast_in_dim3A_203, %get3A_107], %broadcast_in_dim3A_5 masked %lt3A_102 : memref<64x256xf32, #tpu.memory_space<vmem>>[vector<16xi32>, vector<16xi32>], vector<16xf32>, vector<16xi1>
        %broadcast_in_dim3A_204 = arith.constant 48 : i32
        %broadcast_in_dim3A_205 = vector.broadcast %broadcast_in_dim3A_204 : i32 to vector<16xi32>
        tpu.vector_store_idx %arg10[%broadcast_in_dim3A_205, %get3A_107], %broadcast_in_dim3A_5 masked %lt3A_102 : memref<64x256xf32, #tpu.memory_space<vmem>>[vector<16xi32>, vector<16xi32>], vector<16xf32>, vector<16xi1>
        %broadcast_in_dim3A_206 = arith.constant 49 : i32
        %broadcast_in_dim3A_207 = vector.broadcast %broadcast_in_dim3A_206 : i32 to vector<16xi32>
        tpu.vector_store_idx %arg10[%broadcast_in_dim3A_207, %get3A_107], %broadcast_in_dim3A_5 masked %lt3A_102 : memref<64x256xf32, #tpu.memory_space<vmem>>[vector<16xi32>, vector<16xi32>], vector<16xf32>, vector<16xi1>
        %broadcast_in_dim3A_208 = arith.constant 50 : i32
        %broadcast_in_dim3A_209 = vector.broadcast %broadcast_in_dim3A_208 : i32 to vector<16xi32>
        tpu.vector_store_idx %arg10[%broadcast_in_dim3A_209, %get3A_107], %broadcast_in_dim3A_5 masked %lt3A_102 : memref<64x256xf32, #tpu.memory_space<vmem>>[vector<16xi32>, vector<16xi32>], vector<16xf32>, vector<16xi1>
        %broadcast_in_dim3A_210 = arith.constant 51 : i32
        %broadcast_in_dim3A_211 = vector.broadcast %broadcast_in_dim3A_210 : i32 to vector<16xi32>
        tpu.vector_store_idx %arg10[%broadcast_in_dim3A_211, %get3A_107], %broadcast_in_dim3A_5 masked %lt3A_102 : memref<64x256xf32, #tpu.memory_space<vmem>>[vector<16xi32>, vector<16xi32>], vector<16xf32>, vector<16xi1>
        %broadcast_in_dim3A_212 = arith.constant 52 : i32
        %broadcast_in_dim3A_213 = vector.broadcast %broadcast_in_dim3A_212 : i32 to vector<16xi32>
        tpu.vector_store_idx %arg10[%broadcast_in_dim3A_213, %get3A_107], %broadcast_in_dim3A_5 masked %lt3A_102 : memref<64x256xf32, #tpu.memory_space<vmem>>[vector<16xi32>, vector<16xi32>], vector<16xf32>, vector<16xi1>
        %broadcast_in_dim3A_214 = arith.constant 53 : i32
        %broadcast_in_dim3A_215 = vector.broadcast %broadcast_in_dim3A_214 : i32 to vector<16xi32>
        tpu.vector_store_idx %arg10[%broadcast_in_dim3A_215, %get3A_107], %broadcast_in_dim3A_5 masked %lt3A_102 : memref<64x256xf32, #tpu.memory_space<vmem>>[vector<16xi32>, vector<16xi32>], vector<16xf32>, vector<16xi1>
        %broadcast_in_dim3A_216 = arith.constant 54 : i32
        %broadcast_in_dim3A_217 = vector.broadcast %broadcast_in_dim3A_216 : i32 to vector<16xi32>
        tpu.vector_store_idx %arg10[%broadcast_in_dim3A_217, %get3A_107], %broadcast_in_dim3A_5 masked %lt3A_102 : memref<64x256xf32, #tpu.memory_space<vmem>>[vector<16xi32>, vector<16xi32>], vector<16xf32>, vector<16xi1>
        %broadcast_in_dim3A_218 = arith.constant 55 : i32
        %broadcast_in_dim3A_219 = vector.broadcast %broadcast_in_dim3A_218 : i32 to vector<16xi32>
        tpu.vector_store_idx %arg10[%broadcast_in_dim3A_219, %get3A_107], %broadcast_in_dim3A_5 masked %lt3A_102 : memref<64x256xf32, #tpu.memory_space<vmem>>[vector<16xi32>, vector<16xi32>], vector<16xf32>, vector<16xi1>
        %broadcast_in_dim3A_220 = arith.constant 56 : i32
        %broadcast_in_dim3A_221 = vector.broadcast %broadcast_in_dim3A_220 : i32 to vector<16xi32>
        tpu.vector_store_idx %arg10[%broadcast_in_dim3A_221, %get3A_107], %broadcast_in_dim3A_5 masked %lt3A_102 : memref<64x256xf32, #tpu.memory_space<vmem>>[vector<16xi32>, vector<16xi32>], vector<16xf32>, vector<16xi1>
        %broadcast_in_dim3A_222 = arith.constant 57 : i32
        %broadcast_in_dim3A_223 = vector.broadcast %broadcast_in_dim3A_222 : i32 to vector<16xi32>
        tpu.vector_store_idx %arg10[%broadcast_in_dim3A_223, %get3A_107], %broadcast_in_dim3A_5 masked %lt3A_102 : memref<64x256xf32, #tpu.memory_space<vmem>>[vector<16xi32>, vector<16xi32>], vector<16xf32>, vector<16xi1>
        %broadcast_in_dim3A_224 = arith.constant 58 : i32
        %broadcast_in_dim3A_225 = vector.broadcast %broadcast_in_dim3A_224 : i32 to vector<16xi32>
        tpu.vector_store_idx %arg10[%broadcast_in_dim3A_225, %get3A_107], %broadcast_in_dim3A_5 masked %lt3A_102 : memref<64x256xf32, #tpu.memory_space<vmem>>[vector<16xi32>, vector<16xi32>], vector<16xf32>, vector<16xi1>
        %broadcast_in_dim3A_226 = arith.constant 59 : i32
        %broadcast_in_dim3A_227 = vector.broadcast %broadcast_in_dim3A_226 : i32 to vector<16xi32>
        tpu.vector_store_idx %arg10[%broadcast_in_dim3A_227, %get3A_107], %broadcast_in_dim3A_5 masked %lt3A_102 : memref<64x256xf32, #tpu.memory_space<vmem>>[vector<16xi32>, vector<16xi32>], vector<16xf32>, vector<16xi1>
        %broadcast_in_dim3A_228 = arith.constant 60 : i32
        %broadcast_in_dim3A_229 = vector.broadcast %broadcast_in_dim3A_228 : i32 to vector<16xi32>
        tpu.vector_store_idx %arg10[%broadcast_in_dim3A_229, %get3A_107], %broadcast_in_dim3A_5 masked %lt3A_102 : memref<64x256xf32, #tpu.memory_space<vmem>>[vector<16xi32>, vector<16xi32>], vector<16xf32>, vector<16xi1>
        %broadcast_in_dim3A_230 = arith.constant 61 : i32
        %broadcast_in_dim3A_231 = vector.broadcast %broadcast_in_dim3A_230 : i32 to vector<16xi32>
        tpu.vector_store_idx %arg10[%broadcast_in_dim3A_231, %get3A_107], %broadcast_in_dim3A_5 masked %lt3A_102 : memref<64x256xf32, #tpu.memory_space<vmem>>[vector<16xi32>, vector<16xi32>], vector<16xf32>, vector<16xi1>
        %broadcast_in_dim3A_232 = arith.constant 62 : i32
        %broadcast_in_dim3A_233 = vector.broadcast %broadcast_in_dim3A_232 : i32 to vector<16xi32>
        tpu.vector_store_idx %arg10[%broadcast_in_dim3A_233, %get3A_107], %broadcast_in_dim3A_5 masked %lt3A_102 : memref<64x256xf32, #tpu.memory_space<vmem>>[vector<16xi32>, vector<16xi32>], vector<16xf32>, vector<16xi1>
        %broadcast_in_dim3A_234 = arith.constant 63 : i32
        %broadcast_in_dim3A_235 = vector.broadcast %broadcast_in_dim3A_234 : i32 to vector<16xi32>
        tpu.vector_store_idx %arg10[%broadcast_in_dim3A_235, %get3A_107], %broadcast_in_dim3A_5 masked %lt3A_102 : memref<64x256xf32, #tpu.memory_space<vmem>>[vector<16xi32>, vector<16xi32>], vector<16xf32>, vector<16xi1>
      }
      %while3A_96 = arith.constant 1 : i32
      scf.for %while3A_97 = %while3A_94 to %while3A_90 step %while3A_96  : i32 {
        %mul3A_98 = arith.constant 16 : i32
        %mul3A_99 = arith.muli %while3A_97, %mul3A_98 : i32
        %add3A_100 = vector.broadcast %mul3A_99 : i32 to vector<16xi32>
        %add3A_101 = arith.addi %add3A_100, %iota3A : vector<16xi32>
        %lt3A = vector.broadcast %get3A_35 : i32 to vector<16xi32>
        %lt3A_102 = arith.cmpi slt, %add3A_101, %lt3A : vector<16xi32>
        %mul3A_103 = arith.constant 16 : i32
        %mul3A_104 = arith.muli %while3A_97, %mul3A_103 : i32
        %get3A_105 = arith.index_cast %scan3A_34 : i32 to index
        %get3A_106 = arith.index_cast %mul3A_104 : i32 to index
        %get3A_107 = tpu.vector_load %arg7[%get3A_105, %get3A_106] {strides = array<i32>} : memref<32x256xi32, #tpu.memory_space<vmem>>, vector<16xi32>,
        %broadcast_in_dim3A_108 = arith.constant 0 : i32
        %broadcast_in_dim3A_109 = vector.broadcast %broadcast_in_dim3A_108 : i32 to vector<16xi32>
        tpu.vector_store_idx %arg10[%broadcast_in_dim3A_109, %get3A_107], %broadcast_in_dim3A_5 masked %lt3A_102 : memref<64x256xf32, #tpu.memory_space<vmem>>[vector<16xi32>, vector<16xi32>], vector<16xf32>, vector<16xi1>
        %broadcast_in_dim3A_110 = arith.constant 1 : i32
        %broadcast_in_dim3A_111 = vector.broadcast %broadcast_in_dim3A_110 : i32 to vector<16xi32>
        tpu.vector_store_idx %arg10[%broadcast_in_dim3A_111, %get3A_107], %broadcast_in_dim3A_5 masked %lt3A_102 : memref<64x256xf32, #tpu.memory_space<vmem>>[vector<16xi32>, vector<16xi32>], vector<16xf32>, vector<16xi1>
        %broadcast_in_dim3A_112 = arith.constant 2 : i32
        %broadcast_in_dim3A_113 = vector.broadcast %broadcast_in_dim3A_112 : i32 to vector<16xi32>
        tpu.vector_store_idx %arg10[%broadcast_in_dim3A_113, %get3A_107], %broadcast_in_dim3A_5 masked %lt3A_102 : memref<64x256xf32, #tpu.memory_space<vmem>>[vector<16xi32>, vector<16xi32>], vector<16xf32>, vector<16xi1>
        %broadcast_in_dim3A_114 = arith.constant 3 : i32
        %broadcast_in_dim3A_115 = vector.broadcast %broadcast_in_dim3A_114 : i32 to vector<16xi32>
        tpu.vector_store_idx %arg10[%broadcast_in_dim3A_115, %get3A_107], %broadcast_in_dim3A_5 masked %lt3A_102 : memref<64x256xf32, #tpu.memory_space<vmem>>[vector<16xi32>, vector<16xi32>], vector<16xf32>, vector<16xi1>
        %broadcast_in_dim3A_116 = arith.constant 4 : i32
        %broadcast_in_dim3A_117 = vector.broadcast %broadcast_in_dim3A_116 : i32 to vector<16xi32>
        tpu.vector_store_idx %arg10[%broadcast_in_dim3A_117, %get3A_107], %broadcast_in_dim3A_5 masked %lt3A_102 : memref<64x256xf32, #tpu.memory_space<vmem>>[vector<16xi32>, vector<16xi32>], vector<16xf32>, vector<16xi1>
        %broadcast_in_dim3A_118 = arith.constant 5 : i32
        %broadcast_in_dim3A_119 = vector.broadcast %broadcast_in_dim3A_118 : i32 to vector<16xi32>
        tpu.vector_store_idx %arg10[%broadcast_in_dim3A_119, %get3A_107], %broadcast_in_dim3A_5 masked %lt3A_102 : memref<64x256xf32, #tpu.memory_space<vmem>>[vector<16xi32>, vector<16xi32>], vector<16xf32>, vector<16xi1>
        %broadcast_in_dim3A_120 = arith.constant 6 : i32
        %broadcast_in_dim3A_121 = vector.broadcast %broadcast_in_dim3A_120 : i32 to vector<16xi32>
        tpu.vector_store_idx %arg10[%broadcast_in_dim3A_121, %get3A_107], %broadcast_in_dim3A_5 masked %lt3A_102 : memref<64x256xf32, #tpu.memory_space<vmem>>[vector<16xi32>, vector<16xi32>], vector<16xf32>, vector<16xi1>
        %broadcast_in_dim3A_122 = arith.constant 7 : i32
        %broadcast_in_dim3A_123 = vector.broadcast %broadcast_in_dim3A_122 : i32 to vector<16xi32>
        tpu.vector_store_idx %arg10[%broadcast_in_dim3A_123, %get3A_107], %broadcast_in_dim3A_5 masked %lt3A_102 : memref<64x256xf32, #tpu.memory_space<vmem>>[vector<16xi32>, vector<16xi32>], vector<16xf32>, vector<16xi1>
        %broadcast_in_dim3A_124 = arith.constant 8 : i32
        %broadcast_in_dim3A_125 = vector.broadcast %broadcast_in_dim3A_124 : i32 to vector<16xi32>
        tpu.vector_store_idx %arg10[%broadcast_in_dim3A_125, %get3A_107], %broadcast_in_dim3A_5 masked %lt3A_102 : memref<64x256xf32, #tpu.memory_space<vmem>>[vector<16xi32>, vector<16xi32>], vector<16xf32>, vector<16xi1>
        %broadcast_in_dim3A_126 = arith.constant 9 : i32
        %broadcast_in_dim3A_127 = vector.broadcast %broadcast_in_dim3A_126 : i32 to vector<16xi32>
        tpu.vector_store_idx %arg10[%broadcast_in_dim3A_127, %get3A_107], %broadcast_in_dim3A_5 masked %lt3A_102 : memref<64x256xf32, #tpu.memory_space<vmem>>[vector<16xi32>, vector<16xi32>], vector<16xf32>, vector<16xi1>
        %broadcast_in_dim3A_128 = arith.constant 10 : i32
        %broadcast_in_dim3A_129 = vector.broadcast %broadcast_in_dim3A_128 : i32 to vector<16xi32>
        tpu.vector_store_idx %arg10[%broadcast_in_dim3A_129, %get3A_107], %broadcast_in_dim3A_5 masked %lt3A_102 : memref<64x256xf32, #tpu.memory_space<vmem>>[vector<16xi32>, vector<16xi32>], vector<16xf32>, vector<16xi1>
        %broadcast_in_dim3A_130 = arith.constant 11 : i32
        %broadcast_in_dim3A_131 = vector.broadcast %broadcast_in_dim3A_130 : i32 to vector<16xi32>
        tpu.vector_store_idx %arg10[%broadcast_in_dim3A_131, %get3A_107], %broadcast_in_dim3A_5 masked %lt3A_102 : memref<64x256xf32, #tpu.memory_space<vmem>>[vector<16xi32>, vector<16xi32>], vector<16xf32>, vector<16xi1>
        %broadcast_in_dim3A_132 = arith.constant 12 : i32
        %broadcast_in_dim3A_133 = vector.broadcast %broadcast_in_dim3A_132 : i32 to vector<16xi32>
        tpu.vector_store_idx %arg10[%broadcast_in_dim3A_133, %get3A_107], %broadcast_in_dim3A_5 masked %lt3A_102 : memref<64x256xf32, #tpu.memory_space<vmem>>[vector<16xi32>, vector<16xi32>], vector<16xf32>, vector<16xi1>
        %broadcast_in_dim3A_134 = arith.constant 13 : i32
        %broadcast_in_dim3A_135 = vector.broadcast %broadcast_in_dim3A_134 : i32 to vector<16xi32>
        tpu.vector_store_idx %arg10[%broadcast_in_dim3A_135, %get3A_107], %broadcast_in_dim3A_5 masked %lt3A_102 : memref<64x256xf32, #tpu.memory_space<vmem>>[vector<16xi32>, vector<16xi32>], vector<16xf32>, vector<16xi1>
        %broadcast_in_dim3A_136 = arith.constant 14 : i32
        %broadcast_in_dim3A_137 = vector.broadcast %broadcast_in_dim3A_136 : i32 to vector<16xi32>
        tpu.vector_store_idx %arg10[%broadcast_in_dim3A_137, %get3A_107], %broadcast_in_dim3A_5 masked %lt3A_102 : memref<64x256xf32, #tpu.memory_space<vmem>>[vector<16xi32>, vector<16xi32>], vector<16xf32>, vector<16xi1>
        %broadcast_in_dim3A_138 = arith.constant 15 : i32
        %broadcast_in_dim3A_139 = vector.broadcast %broadcast_in_dim3A_138 : i32 to vector<16xi32>
        tpu.vector_store_idx %arg10[%broadcast_in_dim3A_139, %get3A_107], %broadcast_in_dim3A_5 masked %lt3A_102 : memref<64x256xf32, #tpu.memory_space<vmem>>[vector<16xi32>, vector<16xi32>], vector<16xf32>, vector<16xi1>
        %broadcast_in_dim3A_140 = arith.constant 16 : i32
        %broadcast_in_dim3A_141 = vector.broadcast %broadcast_in_dim3A_140 : i32 to vector<16xi32>
        tpu.vector_store_idx %arg10[%broadcast_in_dim3A_141, %get3A_107], %broadcast_in_dim3A_5 masked %lt3A_102 : memref<64x256xf32, #tpu.memory_space<vmem>>[vector<16xi32>, vector<16xi32>], vector<16xf32>, vector<16xi1>
        %broadcast_in_dim3A_142 = arith.constant 17 : i32
        %broadcast_in_dim3A_143 = vector.broadcast %broadcast_in_dim3A_142 : i32 to vector<16xi32>
        tpu.vector_store_idx %arg10[%broadcast_in_dim3A_143, %get3A_107], %broadcast_in_dim3A_5 masked %lt3A_102 : memref<64x256xf32, #tpu.memory_space<vmem>>[vector<16xi32>, vector<16xi32>], vector<16xf32>, vector<16xi1>
        %broadcast_in_dim3A_144 = arith.constant 18 : i32
        %broadcast_in_dim3A_145 = vector.broadcast %broadcast_in_dim3A_144 : i32 to vector<16xi32>
        tpu.vector_store_idx %arg10[%broadcast_in_dim3A_145, %get3A_107], %broadcast_in_dim3A_5 masked %lt3A_102 : memref<64x256xf32, #tpu.memory_space<vmem>>[vector<16xi32>, vector<16xi32>], vector<16xf32>, vector<16xi1>
        %broadcast_in_dim3A_146 = arith.constant 19 : i32
        %broadcast_in_dim3A_147 = vector.broadcast %broadcast_in_dim3A_146 : i32 to vector<16xi32>
        tpu.vector_store_idx %arg10[%broadcast_in_dim3A_147, %get3A_107], %broadcast_in_dim3A_5 masked %lt3A_102 : memref<64x256xf32, #tpu.memory_space<vmem>>[vector<16xi32>, vector<16xi32>], vector<16xf32>, vector<16xi1>
        %broadcast_in_dim3A_148 = arith.constant 20 : i32
        %broadcast_in_dim3A_149 = vector.broadcast %broadcast_in_dim3A_148 : i32 to vector<16xi32>
        tpu.vector_store_idx %arg10[%broadcast_in_dim3A_149, %get3A_107], %broadcast_in_dim3A_5 masked %lt3A_102 : memref<64x256xf32, #tpu.memory_space<vmem>>[vector<16xi32>, vector<16xi32>], vector<16xf32>, vector<16xi1>
        %broadcast_in_dim3A_150 = arith.constant 21 : i32
        %broadcast_in_dim3A_151 = vector.broadcast %broadcast_in_dim3A_150 : i32 to vector<16xi32>
        tpu.vector_store_idx %arg10[%broadcast_in_dim3A_151, %get3A_107], %broadcast_in_dim3A_5 masked %lt3A_102 : memref<64x256xf32, #tpu.memory_space<vmem>>[vector<16xi32>, vector<16xi32>], vector<16xf32>, vector<16xi1>
        %broadcast_in_dim3A_152 = arith.constant 22 : i32
        %broadcast_in_dim3A_153 = vector.broadcast %broadcast_in_dim3A_152 : i32 to vector<16xi32>
        tpu.vector_store_idx %arg10[%broadcast_in_dim3A_153, %get3A_107], %broadcast_in_dim3A_5 masked %lt3A_102 : memref<64x256xf32, #tpu.memory_space<vmem>>[vector<16xi32>, vector<16xi32>], vector<16xf32>, vector<16xi1>
        %broadcast_in_dim3A_154 = arith.constant 23 : i32
        %broadcast_in_dim3A_155 = vector.broadcast %broadcast_in_dim3A_154 : i32 to vector<16xi32>
        tpu.vector_store_idx %arg10[%broadcast_in_dim3A_155, %get3A_107], %broadcast_in_dim3A_5 masked %lt3A_102 : memref<64x256xf32, #tpu.memory_space<vmem>>[vector<16xi32>, vector<16xi32>], vector<16xf32>, vector<16xi1>
        %broadcast_in_dim3A_156 = arith.constant 24 : i32
        %broadcast_in_dim3A_157 = vector.broadcast %broadcast_in_dim3A_156 : i32 to vector<16xi32>
        tpu.vector_store_idx %arg10[%broadcast_in_dim3A_157, %get3A_107], %broadcast_in_dim3A_5 masked %lt3A_102 : memref<64x256xf32, #tpu.memory_space<vmem>>[vector<16xi32>, vector<16xi32>], vector<16xf32>, vector<16xi1>
        %broadcast_in_dim3A_158 = arith.constant 25 : i32
        %broadcast_in_dim3A_159 = vector.broadcast %broadcast_in_dim3A_158 : i32 to vector<16xi32>
        tpu.vector_store_idx %arg10[%broadcast_in_dim3A_159, %get3A_107], %broadcast_in_dim3A_5 masked %lt3A_102 : memref<64x256xf32, #tpu.memory_space<vmem>>[vector<16xi32>, vector<16xi32>], vector<16xf32>, vector<16xi1>
        %broadcast_in_dim3A_160 = arith.constant 26 : i32
        %broadcast_in_dim3A_161 = vector.broadcast %broadcast_in_dim3A_160 : i32 to vector<16xi32>
        tpu.vector_store_idx %arg10[%broadcast_in_dim3A_161, %get3A_107], %broadcast_in_dim3A_5 masked %lt3A_102 : memref<64x256xf32, #tpu.memory_space<vmem>>[vector<16xi32>, vector<16xi32>], vector<16xf32>, vector<16xi1>
        %broadcast_in_dim3A_162 = arith.constant 27 : i32
        %broadcast_in_dim3A_163 = vector.broadcast %broadcast_in_dim3A_162 : i32 to vector<16xi32>
        tpu.vector_store_idx %arg10[%broadcast_in_dim3A_163, %get3A_107], %broadcast_in_dim3A_5 masked %lt3A_102 : memref<64x256xf32, #tpu.memory_space<vmem>>[vector<16xi32>, vector<16xi32>], vector<16xf32>, vector<16xi1>
        %broadcast_in_dim3A_164 = arith.constant 28 : i32
        %broadcast_in_dim3A_165 = vector.broadcast %broadcast_in_dim3A_164 : i32 to vector<16xi32>
        tpu.vector_store_idx %arg10[%broadcast_in_dim3A_165, %get3A_107], %broadcast_in_dim3A_5 masked %lt3A_102 : memref<64x256xf32, #tpu.memory_space<vmem>>[vector<16xi32>, vector<16xi32>], vector<16xf32>, vector<16xi1>
        %broadcast_in_dim3A_166 = arith.constant 29 : i32
        %broadcast_in_dim3A_167 = vector.broadcast %broadcast_in_dim3A_166 : i32 to vector<16xi32>
        tpu.vector_store_idx %arg10[%broadcast_in_dim3A_167, %get3A_107], %broadcast_in_dim3A_5 masked %lt3A_102 : memref<64x256xf32, #tpu.memory_space<vmem>>[vector<16xi32>, vector<16xi32>], vector<16xf32>, vector<16xi1>
        %broadcast_in_dim3A_168 = arith.constant 30 : i32
        %broadcast_in_dim3A_169 = vector.broadcast %broadcast_in_dim3A_168 : i32 to vector<16xi32>
        tpu.vector_store_idx %arg10[%broadcast_in_dim3A_169, %get3A_107], %broadcast_in_dim3A_5 masked %lt3A_102 : memref<64x256xf32, #tpu.memory_space<vmem>>[vector<16xi32>, vector<16xi32>], vector<16xf32>, vector<16xi1>
        %broadcast_in_dim3A_170 = arith.constant 31 : i32
        %broadcast_in_dim3A_171 = vector.broadcast %broadcast_in_dim3A_170 : i32 to vector<16xi32>
        tpu.vector_store_idx %arg10[%broadcast_in_dim3A_171, %get3A_107], %broadcast_in_dim3A_5 masked %lt3A_102 : memref<64x256xf32, #tpu.memory_space<vmem>>[vector<16xi32>, vector<16xi32>], vector<16xf32>, vector<16xi1>
        %broadcast_in_dim3A_172 = arith.constant 32 : i32
        %broadcast_in_dim3A_173 = vector.broadcast %broadcast_in_dim3A_172 : i32 to vector<16xi32>
        tpu.vector_store_idx %arg10[%broadcast_in_dim3A_173, %get3A_107], %broadcast_in_dim3A_5 masked %lt3A_102 : memref<64x256xf32, #tpu.memory_space<vmem>>[vector<16xi32>, vector<16xi32>], vector<16xf32>, vector<16xi1>
        %broadcast_in_dim3A_174 = arith.constant 33 : i32
        %broadcast_in_dim3A_175 = vector.broadcast %broadcast_in_dim3A_174 : i32 to vector<16xi32>
        tpu.vector_store_idx %arg10[%broadcast_in_dim3A_175, %get3A_107], %broadcast_in_dim3A_5 masked %lt3A_102 : memref<64x256xf32, #tpu.memory_space<vmem>>[vector<16xi32>, vector<16xi32>], vector<16xf32>, vector<16xi1>
        %broadcast_in_dim3A_176 = arith.constant 34 : i32
        %broadcast_in_dim3A_177 = vector.broadcast %broadcast_in_dim3A_176 : i32 to vector<16xi32>
        tpu.vector_store_idx %arg10[%broadcast_in_dim3A_177, %get3A_107], %broadcast_in_dim3A_5 masked %lt3A_102 : memref<64x256xf32, #tpu.memory_space<vmem>>[vector<16xi32>, vector<16xi32>], vector<16xf32>, vector<16xi1>
        %broadcast_in_dim3A_178 = arith.constant 35 : i32
        %broadcast_in_dim3A_179 = vector.broadcast %broadcast_in_dim3A_178 : i32 to vector<16xi32>
        tpu.vector_store_idx %arg10[%broadcast_in_dim3A_179, %get3A_107], %broadcast_in_dim3A_5 masked %lt3A_102 : memref<64x256xf32, #tpu.memory_space<vmem>>[vector<16xi32>, vector<16xi32>], vector<16xf32>, vector<16xi1>
        %broadcast_in_dim3A_180 = arith.constant 36 : i32
        %broadcast_in_dim3A_181 = vector.broadcast %broadcast_in_dim3A_180 : i32 to vector<16xi32>
        tpu.vector_store_idx %arg10[%broadcast_in_dim3A_181, %get3A_107], %broadcast_in_dim3A_5 masked %lt3A_102 : memref<64x256xf32, #tpu.memory_space<vmem>>[vector<16xi32>, vector<16xi32>], vector<16xf32>, vector<16xi1>
        %broadcast_in_dim3A_182 = arith.constant 37 : i32
        %broadcast_in_dim3A_183 = vector.broadcast %broadcast_in_dim3A_182 : i32 to vector<16xi32>
        tpu.vector_store_idx %arg10[%broadcast_in_dim3A_183, %get3A_107], %broadcast_in_dim3A_5 masked %lt3A_102 : memref<64x256xf32, #tpu.memory_space<vmem>>[vector<16xi32>, vector<16xi32>], vector<16xf32>, vector<16xi1>
        %broadcast_in_dim3A_184 = arith.constant 38 : i32
        %broadcast_in_dim3A_185 = vector.broadcast %broadcast_in_dim3A_184 : i32 to vector<16xi32>
        tpu.vector_store_idx %arg10[%broadcast_in_dim3A_185, %get3A_107], %broadcast_in_dim3A_5 masked %lt3A_102 : memref<64x256xf32, #tpu.memory_space<vmem>>[vector<16xi32>, vector<16xi32>], vector<16xf32>, vector<16xi1>
        %broadcast_in_dim3A_186 = arith.constant 39 : i32
        %broadcast_in_dim3A_187 = vector.broadcast %broadcast_in_dim3A_186 : i32 to vector<16xi32>
        tpu.vector_store_idx %arg10[%broadcast_in_dim3A_187, %get3A_107], %broadcast_in_dim3A_5 masked %lt3A_102 : memref<64x256xf32, #tpu.memory_space<vmem>>[vector<16xi32>, vector<16xi32>], vector<16xf32>, vector<16xi1>
        %broadcast_in_dim3A_188 = arith.constant 40 : i32
        %broadcast_in_dim3A_189 = vector.broadcast %broadcast_in_dim3A_188 : i32 to vector<16xi32>
        tpu.vector_store_idx %arg10[%broadcast_in_dim3A_189, %get3A_107], %broadcast_in_dim3A_5 masked %lt3A_102 : memref<64x256xf32, #tpu.memory_space<vmem>>[vector<16xi32>, vector<16xi32>], vector<16xf32>, vector<16xi1>
        %broadcast_in_dim3A_190 = arith.constant 41 : i32
        %broadcast_in_dim3A_191 = vector.broadcast %broadcast_in_dim3A_190 : i32 to vector<16xi32>
        tpu.vector_store_idx %arg10[%broadcast_in_dim3A_191, %get3A_107], %broadcast_in_dim3A_5 masked %lt3A_102 : memref<64x256xf32, #tpu.memory_space<vmem>>[vector<16xi32>, vector<16xi32>], vector<16xf32>, vector<16xi1>
        %broadcast_in_dim3A_192 = arith.constant 42 : i32
        %broadcast_in_dim3A_193 = vector.broadcast %broadcast_in_dim3A_192 : i32 to vector<16xi32>
        tpu.vector_store_idx %arg10[%broadcast_in_dim3A_193, %get3A_107], %broadcast_in_dim3A_5 masked %lt3A_102 : memref<64x256xf32, #tpu.memory_space<vmem>>[vector<16xi32>, vector<16xi32>], vector<16xf32>, vector<16xi1>
        %broadcast_in_dim3A_194 = arith.constant 43 : i32
        %broadcast_in_dim3A_195 = vector.broadcast %broadcast_in_dim3A_194 : i32 to vector<16xi32>
        tpu.vector_store_idx %arg10[%broadcast_in_dim3A_195, %get3A_107], %broadcast_in_dim3A_5 masked %lt3A_102 : memref<64x256xf32, #tpu.memory_space<vmem>>[vector<16xi32>, vector<16xi32>], vector<16xf32>, vector<16xi1>
        %broadcast_in_dim3A_196 = arith.constant 44 : i32
        %broadcast_in_dim3A_197 = vector.broadcast %broadcast_in_dim3A_196 : i32 to vector<16xi32>
        tpu.vector_store_idx %arg10[%broadcast_in_dim3A_197, %get3A_107], %broadcast_in_dim3A_5 masked %lt3A_102 : memref<64x256xf32, #tpu.memory_space<vmem>>[vector<16xi32>, vector<16xi32>], vector<16xf32>, vector<16xi1>
        %broadcast_in_dim3A_198 = arith.constant 45 : i32
        %broadcast_in_dim3A_199 = vector.broadcast %broadcast_in_dim3A_198 : i32 to vector<16xi32>
        tpu.vector_store_idx %arg10[%broadcast_in_dim3A_199, %get3A_107], %broadcast_in_dim3A_5 masked %lt3A_102 : memref<64x256xf32, #tpu.memory_space<vmem>>[vector<16xi32>, vector<16xi32>], vector<16xf32>, vector<16xi1>
        %broadcast_in_dim3A_200 = arith.constant 46 : i32
        %broadcast_in_dim3A_201 = vector.broadcast %broadcast_in_dim3A_200 : i32 to vector<16xi32>
        tpu.vector_store_idx %arg10[%broadcast_in_dim3A_201, %get3A_107], %broadcast_in_dim3A_5 masked %lt3A_102 : memref<64x256xf32, #tpu.memory_space<vmem>>[vector<16xi32>, vector<16xi32>], vector<16xf32>, vector<16xi1>
        %broadcast_in_dim3A_202 = arith.constant 47 : i32
        %broadcast_in_dim3A_203 = vector.broadcast %broadcast_in_dim3A_202 : i32 to vector<16xi32>
        tpu.vector_store_idx %arg10[%broadcast_in_dim3A_203, %get3A_107], %broadcast_in_dim3A_5 masked %lt3A_102 : memref<64x256xf32, #tpu.memory_space<vmem>>[vector<16xi32>, vector<16xi32>], vector<16xf32>, vector<16xi1>
        %broadcast_in_dim3A_204 = arith.constant 48 : i32
        %broadcast_in_dim3A_205 = vector.broadcast %broadcast_in_dim3A_204 : i32 to vector<16xi32>
        tpu.vector_store_idx %arg10[%broadcast_in_dim3A_205, %get3A_107], %broadcast_in_dim3A_5 masked %lt3A_102 : memref<64x256xf32, #tpu.memory_space<vmem>>[vector<16xi32>, vector<16xi32>], vector<16xf32>, vector<16xi1>
        %broadcast_in_dim3A_206 = arith.constant 49 : i32
        %broadcast_in_dim3A_207 = vector.broadcast %broadcast_in_dim3A_206 : i32 to vector<16xi32>
        tpu.vector_store_idx %arg10[%broadcast_in_dim3A_207, %get3A_107], %broadcast_in_dim3A_5 masked %lt3A_102 : memref<64x256xf32, #tpu.memory_space<vmem>>[vector<16xi32>, vector<16xi32>], vector<16xf32>, vector<16xi1>
        %broadcast_in_dim3A_208 = arith.constant 50 : i32
        %broadcast_in_dim3A_209 = vector.broadcast %broadcast_in_dim3A_208 : i32 to vector<16xi32>
        tpu.vector_store_idx %arg10[%broadcast_in_dim3A_209, %get3A_107], %broadcast_in_dim3A_5 masked %lt3A_102 : memref<64x256xf32, #tpu.memory_space<vmem>>[vector<16xi32>, vector<16xi32>], vector<16xf32>, vector<16xi1>
        %broadcast_in_dim3A_210 = arith.constant 51 : i32
        %broadcast_in_dim3A_211 = vector.broadcast %broadcast_in_dim3A_210 : i32 to vector<16xi32>
        tpu.vector_store_idx %arg10[%broadcast_in_dim3A_211, %get3A_107], %broadcast_in_dim3A_5 masked %lt3A_102 : memref<64x256xf32, #tpu.memory_space<vmem>>[vector<16xi32>, vector<16xi32>], vector<16xf32>, vector<16xi1>
        %broadcast_in_dim3A_212 = arith.constant 52 : i32
        %broadcast_in_dim3A_213 = vector.broadcast %broadcast_in_dim3A_212 : i32 to vector<16xi32>
        tpu.vector_store_idx %arg10[%broadcast_in_dim3A_213, %get3A_107], %broadcast_in_dim3A_5 masked %lt3A_102 : memref<64x256xf32, #tpu.memory_space<vmem>>[vector<16xi32>, vector<16xi32>], vector<16xf32>, vector<16xi1>
        %broadcast_in_dim3A_214 = arith.constant 53 : i32
        %broadcast_in_dim3A_215 = vector.broadcast %broadcast_in_dim3A_214 : i32 to vector<16xi32>
        tpu.vector_store_idx %arg10[%broadcast_in_dim3A_215, %get3A_107], %broadcast_in_dim3A_5 masked %lt3A_102 : memref<64x256xf32, #tpu.memory_space<vmem>>[vector<16xi32>, vector<16xi32>], vector<16xf32>, vector<16xi1>
        %broadcast_in_dim3A_216 = arith.constant 54 : i32
        %broadcast_in_dim3A_217 = vector.broadcast %broadcast_in_dim3A_216 : i32 to vector<16xi32>
        tpu.vector_store_idx %arg10[%broadcast_in_dim3A_217, %get3A_107], %broadcast_in_dim3A_5 masked %lt3A_102 : memref<64x256xf32, #tpu.memory_space<vmem>>[vector<16xi32>, vector<16xi32>], vector<16xf32>, vector<16xi1>
        %broadcast_in_dim3A_218 = arith.constant 55 : i32
        %broadcast_in_dim3A_219 = vector.broadcast %broadcast_in_dim3A_218 : i32 to vector<16xi32>
        tpu.vector_store_idx %arg10[%broadcast_in_dim3A_219, %get3A_107], %broadcast_in_dim3A_5 masked %lt3A_102 : memref<64x256xf32, #tpu.memory_space<vmem>>[vector<16xi32>, vector<16xi32>], vector<16xf32>, vector<16xi1>
        %broadcast_in_dim3A_220 = arith.constant 56 : i32
        %broadcast_in_dim3A_221 = vector.broadcast %broadcast_in_dim3A_220 : i32 to vector<16xi32>
        tpu.vector_store_idx %arg10[%broadcast_in_dim3A_221, %get3A_107], %broadcast_in_dim3A_5 masked %lt3A_102 : memref<64x256xf32, #tpu.memory_space<vmem>>[vector<16xi32>, vector<16xi32>], vector<16xf32>, vector<16xi1>
        %broadcast_in_dim3A_222 = arith.constant 57 : i32
        %broadcast_in_dim3A_223 = vector.broadcast %broadcast_in_dim3A_222 : i32 to vector<16xi32>
        tpu.vector_store_idx %arg10[%broadcast_in_dim3A_223, %get3A_107], %broadcast_in_dim3A_5 masked %lt3A_102 : memref<64x256xf32, #tpu.memory_space<vmem>>[vector<16xi32>, vector<16xi32>], vector<16xf32>, vector<16xi1>
        %broadcast_in_dim3A_224 = arith.constant 58 : i32
        %broadcast_in_dim3A_225 = vector.broadcast %broadcast_in_dim3A_224 : i32 to vector<16xi32>
        tpu.vector_store_idx %arg10[%broadcast_in_dim3A_225, %get3A_107], %broadcast_in_dim3A_5 masked %lt3A_102 : memref<64x256xf32, #tpu.memory_space<vmem>>[vector<16xi32>, vector<16xi32>], vector<16xf32>, vector<16xi1>
        %broadcast_in_dim3A_226 = arith.constant 59 : i32
        %broadcast_in_dim3A_227 = vector.broadcast %broadcast_in_dim3A_226 : i32 to vector<16xi32>
        tpu.vector_store_idx %arg10[%broadcast_in_dim3A_227, %get3A_107], %broadcast_in_dim3A_5 masked %lt3A_102 : memref<64x256xf32, #tpu.memory_space<vmem>>[vector<16xi32>, vector<16xi32>], vector<16xf32>, vector<16xi1>
        %broadcast_in_dim3A_228 = arith.constant 60 : i32
        %broadcast_in_dim3A_229 = vector.broadcast %broadcast_in_dim3A_228 : i32 to vector<16xi32>
        tpu.vector_store_idx %arg10[%broadcast_in_dim3A_229, %get3A_107], %broadcast_in_dim3A_5 masked %lt3A_102 : memref<64x256xf32, #tpu.memory_space<vmem>>[vector<16xi32>, vector<16xi32>], vector<16xf32>, vector<16xi1>
        %broadcast_in_dim3A_230 = arith.constant 61 : i32
        %broadcast_in_dim3A_231 = vector.broadcast %broadcast_in_dim3A_230 : i32 to vector<16xi32>
        tpu.vector_store_idx %arg10[%broadcast_in_dim3A_231, %get3A_107], %broadcast_in_dim3A_5 masked %lt3A_102 : memref<64x256xf32, #tpu.memory_space<vmem>>[vector<16xi32>, vector<16xi32>], vector<16xf32>, vector<16xi1>
        %broadcast_in_dim3A_232 = arith.constant 62 : i32
        %broadcast_in_dim3A_233 = vector.broadcast %broadcast_in_dim3A_232 : i32 to vector<16xi32>
        tpu.vector_store_idx %arg10[%broadcast_in_dim3A_233, %get3A_107], %broadcast_in_dim3A_5 masked %lt3A_102 : memref<64x256xf32, #tpu.memory_space<vmem>>[vector<16xi32>, vector<16xi32>], vector<16xf32>, vector<16xi1>
        %broadcast_in_dim3A_234 = arith.constant 63 : i32
        %broadcast_in_dim3A_235 = vector.broadcast %broadcast_in_dim3A_234 : i32 to vector<16xi32>
        tpu.vector_store_idx %arg10[%broadcast_in_dim3A_235, %get3A_107], %broadcast_in_dim3A_5 masked %lt3A_102 : memref<64x256xf32, #tpu.memory_space<vmem>>[vector<16xi32>, vector<16xi32>], vector<16xf32>, vector<16xi1>
      }
    }
    %scan3A_33 = arith.constant 32 : i32
    return
  }
}

</mosaic_0001>

<sc_bundles>
// kernel: _sc_scatter.3.cloned.1.call-start
scs
__scs_entry_jumppad:
0x0: {  	(pc) =	sbr.rel $0x88, $3  }
0x1: {  	(tag) =	ssettag $0x0;
	lr =	simm.s32 $0x1  }
0x2: {  	[smem:$0x3F9F] =	sst lr;
	_ =	strace $0xD0000000  }
0x3: {  	_ = 	snop  }
0x4: {  	_ = 	snop  }
0x5: {  	_ = 	snop  }
0x6: {  	_ = 	snop  }
0x7: {  	_ = 	snop  }
__scs_overlays_trampoline_lowered:
0x8: {  	[smem:$0x3FAE] =	sst s0  }
0x9: {  	[smem:$0x3FAF] =	sst s1  }
0xa: {  	[smem:$0x3FB0] =	sst s2  }
0xb: {  	[smem:$0x3FB1] =	sst s3  }
0xc: {  	[smem:$0x3FB2] =	sst s4  }
0xd: {  	[smem:$0x3FB3] =	sst s5  }
0xe: {  	[smem:$0x3FB4] =	sst s6  }
0xf: {  	[smem:$0x3FB5] =	sst s7  }
0x10: {  	[smem:$0x3FB6] =	sst s8  }
0x11: {  	[smem:$0x3FB7] =	sst s9;
	s0 =	simm.s32 @!p0 $0x0  }
0x12: {  	s1 =	sld [smem:$0x3F9D];
	s0 =	simm.s32 @p0 $0x1  }
0x13: {  	[smem:$0x3FB8] =	sst s0;
	s0 =	simm.s32 @!p1 $0x0  }
0x14: {  	s2 =	sld [smem:$0x3F9C];
	s0 =	simm.s32 @p1 $0x1  }
0x15: {  	[smem:$0x3FB9] =	sst s0;
	s0 =	simm.s32 @!p2 $0x0  }
0x16: {  	s3 =	sld [smem:$0x3FDB];
	s0 =	simm.s32 @p2 $0x1  }
0x17: {  	s4 =	simm.s32 $0x1BF5;
	[smem:$0x3FBB] =	sst s0  }
0x18: {  	s0 =	sld [smem:$0x3F9E];
	_ =	swait.ge [sflag:s4], $0x0  }
0x19: {  	s7 =	sld [smem:$0x3F9F]  }
0x1a: {  	s8 =	sadd.s32 $0xFFFFE003, lr  }
0x1b: {  	s9 =	sadd.s32 $0xFFFFFEF7, lr;
	s5 =	simm.s32 $0xFFFFFFFF;
	p2 =	slt.u32 s8, $0xFFFFF086  }
0x1c: {  	p1 =	slt.u32 s9, $0xF7A;
	s5 =	simm.s32 @!p2 $0x0  }
0x1d: {  	s5 =	simm.s32 @p1 $0x1;
	p0 =	seq.s32 s7, s2  }
0x1e: {  	s7 =	smul.u32 @!p0 $0xF7A, s2;
	p2 =	seq.s32 @!p0 s5, $0x0  }
0x1f: {  	s9 =	smul.u32 $0xF7A, s1;
	s8 =	simm.s32 @!p0 $0x1BF5;
	p2 =	por !p2, p0  }
0x20: {  	[sflag:s8] =	ssyncset.s32 @!p0 $0xFFFFF086;
	s6 =	sadd.s32 @!p0 s3, s7;
	s7 =	simm.s32 @!p0 $0x108  }
0x21: {  	s3 =	sadd.s32 s3, s9;
	s6 =	sadd.s32 @!p0 $0x88, s6;
	s7 =	simm.s32 @p2 $0x1082  }
0x22: {  	[simem:s7], [sflag:s8] =	dma.local @!p0 [hbm:s6], $0xF7A  }
0x23: {  	s9 =	sor.u32 $0xD0000000, s2;
	s6 =	simm.s32 $0x108;
	_ =	swait.ge @!p0 [sflag:s8], $0x0  }
0x24: {  	s3 =	sadd.s32 $0x88, s3;
	s6 =	simm.s32 @!p1 $0x1082;
	[sflag:s4] =	ssyncset.s32 $0xFFFFF086  }
0x25: {  	[simem:s6], [sflag:s4] =	dma.local [hbm:s3], $0xF7A  }
0x26: {  	[smem:$0x3F9F] =	sst s1;
	(tag) =	ssettag s2;
	_ =	strace s9  }
0x27: {  	s1 =	sld [smem:$0x3FAF]  }
0x28: {  	s2 =	sld [smem:$0x3FB0]  }
0x29: {  	s4 =	sld [smem:$0x3FB2]  }
0x2a: {  	p0 =	seq.s32 s5, $0x0;
	s5 =	sld [smem:$0x3FB3]  }
0x2b: {  	s6 =	sld [smem:$0x3FB4]  }
0x2c: {  	s7 =	sld [smem:$0x3FB5]  }
0x2d: {  	s3 =	simm.s32 $0x108;
	s8 =	sld [smem:$0x3FB6]  }
0x2e: {  	s3 =	simm.s32 @!p0 $0x1082;
	s9 =	sld [smem:$0x3FB7]  }
0x2f: {  	lr =	sadd.s32 s0, s3;
	s0 =	sld [smem:$0x3FAE]  }
0x30: {  	s3 =	sld [smem:$0x3FB1]  }
0x31: {  	[smem:$0x3FBA] =	sst s10  }
0x32: {  	s10 =	sld [smem:$0x3FB8];
	_ =	sdelay $0x3  }
0x33: {  	p0 =	seq.s32 s10, $0x1;
	s10 =	sld [smem:$0x3FBA];
	_ =	sdelay $0x3  }
0x34: {  	[smem:$0x3FBA] =	sst s10  }
0x35: {  	s10 =	sld [smem:$0x3FB9];
	_ =	sdelay $0x3  }
0x36: {  	p1 =	seq.s32 s10, $0x1;
	s10 =	sld [smem:$0x3FBA];
	_ =	sdelay $0x3  }
0x37: {  	[smem:$0x3FBA] =	sst s10  }
0x38: {  	s10 =	sld [smem:$0x3FBB]  }
0x39: {  	_ = 	snop;
	(pc) =	sbr.ind lr, $3  }
0x3a: {  	_ = 	snop  }
0x3b: {  	_ = 	snop  }
0x3c: {  	p2 =	seq.s32 s10, $0x1;
	s10 =	sld [smem:$0x3FBA]  }
0x3d: {  	_ =	shalt  }
0x3e: {  	_ =	shalt  }
0x3f: {  	_ =	shalt  }
0x40: {  	_ =	shalt  }
0x41: {  	_ =	shalt  }
0x42: {  	_ =	shalt  }
0x43: {  	_ =	shalt  }
0x44: {  	_ =	shalt  }
0x45: {  	_ =	shalt  }
0x46: {  	_ =	shalt  }
0x47: {  	_ =	shalt  }
0x48: {  	_ =	shalt  }
0x49: {  	_ =	shalt  }
0x4a: {  	_ =	shalt  }
0x4b: {  	_ =	shalt  }
0x4c: {  	_ =	shalt  }
0x4d: {  	_ =	shalt  }
0x4e: {  	_ =	shalt  }
0x4f: {  	_ =	shalt  }
0x50: {  	_ =	shalt  }
0x51: {  	_ =	shalt  }
0x52: {  	_ =	shalt  }
0x53: {  	_ =	shalt  }
0x54: {  	_ =	shalt  }
0x55: {  	_ =	shalt  }
0x56: {  	_ =	shalt  }
0x57: {  	_ =	shalt  }
0x58: {  	_ =	shalt  }
0x59: {  	_ =	shalt  }
0x5a: {  	_ =	shalt  }
0x5b: {  	_ =	shalt  }
0x5c: {  	_ =	shalt  }
0x5d: {  	_ =	shalt  }
0x5e: {  	_ =	shalt  }
0x5f: {  	_ =	shalt  }
0x60: {  	_ =	shalt  }
0x61: {  	_ =	shalt  }
0x62: {  	_ =	shalt  }
0x63: {  	_ =	shalt  }
0x64: {  	_ =	shalt  }
0x65: {  	_ =	shalt  }
0x66: {  	_ =	shalt  }
0x67: {  	_ =	shalt  }
0x68: {  	_ =	shalt  }
0x69: {  	_ =	shalt  }
0x6a: {  	_ =	shalt  }
0x6b: {  	_ =	shalt  }
0x6c: {  	_ =	shalt  }
0x6d: {  	_ =	shalt  }
0x6e: {  	_ =	shalt  }
0x6f: {  	_ =	shalt  }
0x70: {  	_ =	shalt  }
0x71: {  	_ =	shalt  }
0x72: {  	_ =	shalt  }
0x73: {  	_ =	shalt  }
0x74: {  	_ =	shalt  }
0x75: {  	_ =	shalt  }
0x76: {  	_ =	shalt  }
0x77: {  	_ =	shalt  }
0x78: {  	_ =	shalt  }
0x79: {  	_ =	shalt  }
0x7a: {  	_ =	shalt  }
0x7b: {  	_ =	shalt  }
0x7c: {  	_ =	shalt  }
0x7d: {  	_ =	shalt  }
0x7e: {  	_ =	shalt  }
0x7f: {  	_ =	shalt  }
0x80: {  	_ =	shalt  }
0x81: {  	_ =	shalt  }
0x82: {  	_ =	shalt  }
0x83: {  	_ =	shalt  }
0x84: {  	_ =	shalt  }
0x85: {  	_ =	shalt  }
0x86: {  	_ =	shalt  }
0x87: {  	_ =	shalt  }
.Lfunc_end0:
.L_simem_size_0:
called_computation_lowered:
.L_overlay_start_0:
0x88: {  	s2 =	sld [smem:$0x3FD9]  }
0x89: {  	s3 =	sld [smem:$0x3FFE];
	_ =	sdelay $0x1  }
0x8a: {  	s1 =	srdreg.scid  }
0x8b: {  	s0 =	sand.u32 $0x1, s1  }
0x8c: {  	s17 =	sshll.u32 s0, $0xA;
	s2 =	sadd.s32 s3, s2  }
0x8d: {  	s2 =	sadd.s32 s2, s17  }
0x8e: {  	[smem:$0x3FC6] =	sst s2  }
0x8f: {  	_ = 	snop  }
0x90: {  	s2 =	sld [smem:$0x3FC8]  }
0x91: {  	s18 =	sld [smem:$0x3FD0];
	(tm) =	ssettm $0x1  }
0x92: {  	s4 =	sld [smem:$0x3FFB];
	_ =	sdelay $0x3  }
0x93: {  	_ =	strace s4  }
0x94: {  	s4 =	sld [smem:$0x3FFC];
	_ =	sdelay $0x3  }
0x95: {  	_ =	strace s4  }
0x96: {  	s4 =	sld [smem:$0x3FFD];
	_ =	sdelay $0x3  }
0x97: {  	_ =	strace s4  }
0x98: {  	_ =	strace $0x8FFFFFFF  }
0x99: {  	s19 =	sld [smem:$0x3FDB];
	_ =	sdelay $0x1  }
0x9a: {  	s5 =	simm.s32 $_scs_section_size  }
0x9b: {  	s6 =	simm.s32 $_size__tile_overlayer_lowered;
	s7 =	simm.s32 $_tile_overlayer_lowered  }
0x9c: {  	s22 =	simm.s32 $0x1BFF;
	s21 =	sshll.u32 s7, $0x1;
	s4 =	sadd.s32 s5, s19  }
0x9d: {  	s8 =	simm.s32 $0x0;
	s20 =	sshll.u32 s6, $0x1;
	s6 =	sadd.s32 s21, s4  }
0x9e: {  	[timem:s8], [sflag:s22] =	dma.local [hbm:s6], s20  }
0x9f: {  	_ =	swait.ge [sflag:s22], s20  }
0xa0: {  	s5 =	ssub.s32 $0x0, s20;
	[sflag:s22] =	ssyncset.done $0x0  }
0xa1: {  	[sflag:s22] =	ssyncadd.s32 s5;
	_ =	sdelay $0x1  }
0xa2: {  	s23 =	simm.s32 $0x1B8B  }
0xa3: {  	_ =	swait.ge [sflag:s23], $0x1  }
0xa4: {  	[sflag:s23] =	ssyncset.done $0x0  }
0xa5: {  	s25 =	simm.s32 $0x1B8E;
	s24 =	sld [smem:$0x3FFE];
	[sflag:s23] =	ssyncadd.s32 $0xFFFFFFFF  }
0xa6: {  	s26 =	simm.s32 $execute0_lowered;
	[smem:$0x3FD2] =	sst s25  }
0xa7: {  	s6 =	sshll.u32 s26, $0x1;
	_ =	strace $0x80000046;
	[dreg:$0x1] =	wrdreg $0xFFFFFFFF  }
0xa8: {  	s28 =	simm.s32 $_size_execute0_lowered;
	s4 =	sadd.s32 s4, s6;
	[dreg:$0x0] =	wrdreg $0x0  }
0xa9: {  	s6 =	sshll.u32 s28, $0x1;
	[dreg:$0x2] =	wrdreg s4  }
0xaa: {  	[dreg:$0x3] =	wrdreg s6  }
0xab: {  	[dreg:$0x4] =	wrdreg $0xC0  }
0xac: {  	_ =	task [dreg:s8], $0x5FFFF  }
0xad: {  	[dreg:$0x1] =	wrdreg $0xFFFFFFFF  }
0xae: {  	[dreg:$0x0] =	wrdreg $0x60  }
0xaf: {  	[dreg:$0x2] =	wrdreg s18  }
0xb0: {  	[dreg:$0x3] =	wrdreg s2  }
0xb1: {  	[dreg:$0x4] =	wrdreg s24  }
0xb2: {  	[dreg:$0x5] =	wrdreg $0x9  }
0xb3: {  	_ =	task.clear_ibuf [dreg:s8], $0x6FFFF;
	_ =	strace $0x90000046  }
0xb4: {  	s29 =	simm.s32 $0x9;
	_ =	strace $0x80000048  }
0xb5: {  	_ =	swait.ge [sflag:s29], $0x1  }
0xb6: {  	[sflag:s29] =	ssyncadd.s32 $0xFFFFFFFF  }
0xb7: {  	_ =	strace $0x90000048  }
0xb8: {  	_ =	sfence  }
0xb9: {  	s30 =	sld [smem:$0x0];
	_ =	sdelay $0x2  }
0xba: {  	s31 =	sshll.u32 s1, $0xD;
	s1 =	sshrl.u32 s1, $0x2  }
0xbb: {  	s3 =	sand.u32 $0x4000, s31;
	s1 =	sadd.s32 s1, s30  }
0xbc: {  	s0 =	sor.u32 s3, s0;
	s1 =	sshll.u32 s1, $0x11  }
0xbd: {  	s0 =	sor.u32 s1, s0  }
0xbe: {  	s0 =	sadd.s32 $0x8F2B, s0  }
0xbf: {  	[sflag:s0] =	ssyncadd.remote.s32 $0x1  }
0xc0: {  	_ =	sfence.sel $0xFFFF  }
0xc1: {  	[dreg:$0x0] =	wrdreg $0xFFFFFFFF;
	(pc) =	sbr.abs _section_cstart, $3  }
0xc2: {  	[dreg:$0x1] =	wrdreg $0xFFFFFFFF  }
0xc3: {  	_ =	task.clear_ibuf [dreg:s8], $0x2FFFF;
	_ =	strace $0x9FFFFFFF  }
0xc4: {  	(tm) =	ssettm $0x7FFFFFFF  }
0xc5: {  	_ =	shalt  }
tec
execute0_lowered:
.L_overlay_start_1:
0x0: {  	(tag) =	ssettag $0x1  }
0x1: {  	s1 =	rddreg [dreg:$0x0]  }
0x2: {  	s2 =	rddreg [dreg:$0x1]  }
0x3: {  	s5 =	rddreg [dreg:$0x2]  }
0x4: {  	s0 =	rddreg [dreg:$0x3];
	s3 =	simm.s32 $0x0;
	s4 =	srdreg.scid  }
0x5: {  	s10 =	simm.s32 $0xB800;
	s11 =	simm.s32 $0xD800;
	s12 =	simm.s32 $0x11800  }
0x6: {  	s13 =	simm.s32 $0x100;
	s14 =	simm.s32 $0x40000;
	s15 =	simm.s32 $0x0  }
.Ltmp0:
0x7: {  	[smem:$0x7FF] =	sst s3;
	s6 =	sand.u32 $0x1, s4;
	(pc) =	sbr.rel .LBB2_1-.Ltmp0, $4  }
0x8: {  	s4 =	stileid.u32;
	s5 =	sadd.s32 $0x400, s5;
	s7 =	ssub.s32 $0x2, s6  }
0x9: {  	s9 =	sshll.u32 s4, $0xE;
	s6 =	sshll.u32 s6, $0xD;
	s8 =	sshrl.u32 s7, $0x1  }
0xa: {  	v0 =	vimm.s32 $0xFFFFFFFF;
	_ =	strace $0x80000047;
	s6 =	sor.u32 s6, s9;
	s7 =	ssub.s32 s7, s8  }
0xb: {  	v1 =	vlaneseq.u32;
	v2 =	vimm.f32 $0.0e+00;
	v3 =	vimm.s32 $0x0;
	s9 =	simm.s32 $0x9800;
	s8 =	simm.s32 $0x2;
	s7 =	smax.u32 s7, $0x1  }
.LBB2_18:
0xc: {  	s15 =	sadd.s32 $0x1, s15  }
0xd: {  	p0 =	sne.s32 s15, s7  }
.Ltmp1:
0xe: {  	_ = 	snop;
	(pc) =	sbr.rel @!p0 .LBB2_19-.Ltmp1, $1  }
0xf: {  	_ =	sdelay $0x3  }
.LBB2_1:
0x10: {  	[tilespmem:s3], [sflag:$0x2] =	stream.linear.gather [hbm4b:s2+s3], $0x7800, $0x38;
	[tilespmem:$0x15800] =	vst v63  }
0x11: {  	_ =	swait.ge [sflag:s8], $0x7800  }
0x12: {  	[sflag:s8] =	ssyncset.done $0x0  }
0x13: {  	s17 =	simm.s32 $0x7800;
	[sflag:s8] =	ssyncadd.s32 $0xFFFF8800  }
0x14: {  	s18 =	simm.s32 $0x10;
	v4 =	vor.u32 s3, v1;
	s19 =	sand.u32 $0x1FF0, s3;
	[tilespmem:s17+$0x0] =	vst v0  }
.LBB2_2:
0x15: {  	p0 =	sne.s32 s18, $0x1FF0  }
0x16: {  	[tilespmem:s19+$0xB800] =	vst v4;
	s17 =	sadd.s32 $0x10, s17;
	s16 =	smov.u32 s18;
	s18 =	sadd.s32 $0x10, s18  }
.Ltmp2:
0x17: {  	[tilespmem:s17+$0x0] =	vst v0;
	(pc) =	sbr.rel @p0 .LBB2_2-.Ltmp2, $2  }
0x18: {  	_ =	sdelay $0x2  }
0x19: {  	v4 =	vor.u32 s16, v1;
	s19 =	sand.u32 $0x1FF0, s16;
	s16 =	simm.s32 $0x0  }
0x1a: {  	[tilespmem:s19+$0xB800] =	vst v4;
	s17 =	simm.s32 $0x0  }
.LBB2_4:
0x1b: {  	p0 =	sne.s32 s17, $0x3FF0  }
.Ltmp3:
0x1c: {  	_ = 	snop;
	(pc) =	sbr.rel @p0 .LBB2_4-.Ltmp3, $3  }
0x1d: {  	_ =	sdelay $0x1  }
0x1e: {  	s18 =	sand.u32 $0x3FF0, s17  }
0x1f: {  	s17 =	sadd.s32 $0x10, s17;
	[tilespmem:s18+$0x11800] =	vst v2  }
0x20: {  	s17 =	simm.s32 $0x7800  }
.LBB2_6:
0x21: {  	v5 =	vld [tilespmem:s17+$0x0];
	_ =	sdelay $0x4  }
0x22: {  	vm0 =	vgt.s32 v5, $0xFFFFFFFF  }
0x23: {  	v4 =	vsel vm0, $0x1, v3  }
0x24: {  	(xrf0) =	vadd.scan.msk.s32 $0xffff, v4;
	_ =	sdelay $0x1  }
0x25: {  	s18 =	simm.s32 $0x0  }
0x26: {  	v4 =	vmov s18  }
0x27: {  	v4 =	vadd.s32 $0xFFFFFFFF, v4  }
0x28: {  	v4 =	vbroadcast v4, $0x0  }
0x29: {  	v6, _, _ =	vpop (xrf0)  }
0x2a: {  	s19 =	sshll.u32 s16, $0x8;
	v7 =	vadd.s32 v6, v4;
	(v2sf) =	vpush v6, $0xF  }
0x2b: {  	v4 =	vmov s19;
	v8 =	vand.u32 $0xFFFFFFF8, v7  }
0x2c: {  	v7 =	vand.u32 $0x7, v7;
	v8 =	vadd.s32 v4, v8  }
0x2d: {  	v7 =	vor.u32 v7, v8;
	_ =	sdelay $0x3  }
0x2e: {  	v63 =	vor.u32 s18, v1  }
0x2f: {  	[tilespmem:v7+s9+$0x0] =	vst.idx.msk vm0, v63  }
0x30: {  	s20 =	sadd.s32 $0x10, s17;
	[tilespmem:v7+s10+$0x0] =	vst.idx.msk vm0, v5  }
0x31: {  	s21 =	simm.s32 $0x20;
	s19 =	simm.s32 $0x10;
	v5 =	vld [tilespmem:s20+$0x0]  }
.LBB2_7:
0x32: {  	p0 =	sne.s32 s21, $0xF0;
	_ =	sdelay $0x3  }
0x33: {  	vm0 =	vgt.s32 v5, $0xFFFFFFFF;
	s22 =	spop (v2sf)  }
0x34: {  	v6 =	vsel vm0, $0x1, v3;
	s18 =	sadd.s32 s18, s22  }
0x35: {  	v7 =	vmov s18;
	(xrf0) =	vadd.scan.msk.s32 $0xffff, v6  }
0x36: {  	v6 =	vadd.s32 $0xFFFFFFFF, v7  }
0x37: {  	v6 =	vbroadcast v6, $0x0;
	_ =	sdelay $0x3  }
0x38: {  	v7, _, _ =	vpop (xrf0)  }
0x39: {  	v6 =	vadd.s32 v7, v6;
	(v2sf) =	vpush v7, $0xF  }
0x3a: {  	v7 =	vand.u32 $0xFFFFFFF8, v6;
	v6 =	vand.u32 $0x7, v6  }
0x3b: {  	v7 =	vadd.s32 v4, v7  }
0x3c: {  	v6 =	vor.u32 v6, v7;
	_ =	sdelay $0x2  }
.Ltmp4:
0x3d: {  	(pc) =	sbr.rel @p0 .LBB2_7-.Ltmp4, $4  }
0x3e: {  	v7 =	vor.u32 s19, v1;
	s19 =	smov.u32 s21  }
0x3f: {  	[tilespmem:v6+s9+$0x0] =	vst.idx.msk vm0, v7  }
0x40: {  	s20 =	sadd.s32 $0x10, s20;
	[tilespmem:v6+s10+$0x0] =	vst.idx.msk vm0, v5  }
0x41: {  	s21 =	sadd.s32 $0x10, s21;
	v5 =	vld [tilespmem:s20+$0x0]  }
0x42: {  	_ =	sdelay $0x3  }
0x43: {  	vm0 =	vgt.s32 v5, $0xFFFFFFFF  }
0x44: {  	v6 =	vsel vm0, $0x1, v3  }
0x45: {  	(xrf0) =	vadd.scan.msk.s32 $0xffff, v6;
	_ =	sdelay $0x5  }
0x46: {  	v6, _, _ =	vpop (xrf0)  }
0x47: {  	(v2sf) =	vpush v6, $0xF;
	_ =	sdelay $0x7  }
0x48: {  	s20 =	spop (v2sf)  }
0x49: {  	s18 =	sadd.s32 s18, s20  }
0x4a: {  	v7 =	vmov s18  }
0x4b: {  	v7 =	vadd.s32 $0xFFFFFFFF, v7  }
0x4c: {  	v7 =	vbroadcast v7, $0x0;
	_ =	sdelay $0x1  }
0x4d: {  	v6 =	vadd.s32 v6, v7  }
0x4e: {  	v7 =	vand.u32 $0xFFFFFFF8, v6;
	s31 =	spop (v2sf)  }
0x4f: {  	v6 =	vand.u32 $0x7, v6;
	v4 =	vadd.s32 v4, v7;
	s18 =	sadd.s32 s18, s31  }
0x50: {  	v4 =	vor.u32 v6, v4;
	[smem:s16] =	sst s18;
	s16 =	sadd.s32 $0x1, s16  }
0x51: {  	p0 =	sne.s32 s16, $0x20  }
.Ltmp5:
0x52: {  	_ = 	snop;
	(pc) =	sbr.rel @p0 .LBB2_6-.Ltmp5, $4  }
0x53: {  	_ = 	snop  }
0x54: {  	v63 =	vor.u32 s19, v1  }
0x55: {  	[tilespmem:v4+s9+$0x0] =	vst.idx.msk vm0, v63  }
0x56: {  	s17 =	sadd.s32 $0x100, s17;
	[tilespmem:v4+s10+$0x0] =	vst.idx.msk vm0, v5  }
.Ltmp6:
0x57: {  	(pc) =	sbr.rel .LBB2_10-.Ltmp6, $2  }
0x58: {  	_ =	sdelay $0x2  }
0x59: {  	s16 =	simm.s32 $0x0;
	s17 =	simm.s32 $0x9800  }
.LBB2_16:
0x5a: {  	s18 =	sadd.s32 s6, s19  }
0x5b: {  	s18 =	sshrl.u32 s18, $0x3  }
0x5c: {  	s18 =	sadd.s32 s5, s18  }
0x5d: {  	[hbm4b:s18+s13] =	stream.strided.scatter [tilespmem:s12], [sflag:$0x2], $0x4000, s14, s13, $0x38;
	[tilespmem:$0x15800] =	vst v63  }
0x5e: {  	_ =	swait.ge [sflag:s8], $0x4000  }
0x5f: {  	[sflag:s8] =	ssyncset.done $0x0  }
0x60: {  	[sflag:s8] =	ssyncadd.s32 $0xFFFFC000  }
.LBB2_17:
0x61: {  	s16 =	sadd.s32 $0x1, s16  }
0x62: {  	p0 =	sne.s32 s16, $0x20  }
.Ltmp7:
0x63: {  	_ = 	snop;
	(pc) =	sbr.rel @!p0 .LBB2_18-.Ltmp7, $2  }
0x64: {  	_ =	sdelay $0x2  }
0x65: {  	s17 =	sadd.s32 $0x100, s17  }
.LBB2_10:
0x66: {  	s20 =	sld [smem:s16+$0x0];
	_ =	sdelay $0x2  }
0x67: {  	s19 =	sshll.u32 s16, $0x8;
	p0 =	slt.s32 s20, $0x1  }
0x68: {  	s18 =	sadd.s32 @!p0 $0xB800, s19  }
0x69: {  	s21 =	simm.s32 @!p0 $0x40;
	s22 =	simm.s32 @!p0 $0xD800;
	p1 =	slt.u32 @!p0 s20, $0x41  }
0x6a: {  	[tilespmem:s22], [sflag:$0x1] =	stream.indirect.gather @!p0 [hbm4b:s1+s21], $0x40, s18, s21, $0xb8;
	[tilespmem:$0x15800] =	vst v63  }
0x6b: {  	s28 =	sadd.s32 $0xF, s20;
	s18 =	simm.s32 @!p0 $0x1;
	p2 =	por p1, p0  }
0x6c: {  	s29 =	sand.u32 $0xF, s28;
	_ =	swait.ge @!p0 [sflag:s18], $0x1000;
	s21 =	simm.s32 @!p2 $0x40  }
0x6d: {  	s22 =	simm.s32 @!p2 $0xE800;
	p3 =	slt.u32 @!p2 s20, $0x81;
	[sflag:s18] =	ssyncset.done @!p0 $0x0  }
0x6e: {  	p4 =	por @!p0 p3, p1;
	[sflag:s18] =	ssyncadd.s32 @!p0 $0xFFFFF000;
	s18 =	sadd.s32 @!p2 $0xB840, s19  }
0x6f: {  	[tilespmem:s22], [sflag:$0x1] =	stream.indirect.gather @!p2 [hbm4b:s1+s21], $0x40, s18, s21, $0xb8;
	[tilespmem:$0x15800] =	vst v63  }
0x70: {  	s30 =	sshra.s32 s28, $0x1F;
	p4 =	por p4, p0;
	s18 =	simm.s32 @!p2 $0x1  }
0x71: {  	p6 =	sne.s32 s29, $0x0;
	s21 =	simm.s32 @!p4 $0x40;
	_ =	swait.ge @!p2 [sflag:s18], $0x1000  }
0x72: {  	s22 =	simm.s32 @!p4 $0xF800;
	p5 =	slt.u32 @!p4 s20, $0xC1;
	[sflag:s18] =	ssyncset.done @!p2 $0x0  }
0x73: {  	[sflag:s18] =	ssyncadd.s32 @!p2 $0xFFFFF000;
	s18 =	sadd.s32 @!p4 $0xB880, s19;
	p2 =	por @!p2 p5, p3  }
0x74: {  	[tilespmem:s22], [sflag:$0x1] =	stream.indirect.gather @!p4 [hbm4b:s1+s21], $0x40, s18, s21, $0xb8;
	[tilespmem:$0x15800] =	vst v63  }
0x75: {  	s31 =	sshrl.u32 s30, $0x1C;
	s18 =	simm.s32 @!p4 $0x1;
	p1 =	por @!p0 p2, p1  }
0x76: {  	p5 =	slt.s32 s28, $0x1;
	_ =	swait.ge @!p4 [sflag:s18], $0x1000;
	p0 =	por p1, p0  }
0x77: {  	p1 =	por !p5, !p6;
	[sflag:s18] =	ssyncset.done @!p4 $0x0;
	s21 =	simm.s32 @!p0 $0x40  }
0x78: {  	s22 =	simm.s32 @!p0 $0x10800;
	[sflag:s18] =	ssyncadd.s32 @!p4 $0xFFFFF000;
	s18 =	sadd.s32 @!p0 $0xB8C0, s19  }
0x79: {  	[tilespmem:s22], [sflag:$0x1] =	stream.indirect.gather @!p0 [hbm4b:s1+s21], $0x40, s18, s21, $0xb8;
	[tilespmem:$0x15800] =	vst v63  }
0x7a: {  	p1 =	por !p1, !p1;
	s18 =	sadd.s32 s31, s28;
	s21 =	simm.s32 $0x1  }
0x7b: {  	s18 =	sshra.s32 s18, $0x4;
	s21 =	simm.s32 @!p1 $0x0  }
0x7c: {  	s18 =	ssub.s32 s18, s21  }
0x7d: {  	p1 =	slt.s32 s18, $0x1  }
.Ltmp8:
0x7e: {  	_ = 	snop;
	(pc) =	sbr.rel @p1 .LBB2_16-.Ltmp8, $4  }
0x7f: {  	s22 =	simm.s32 @!p0 $0x1  }
0x80: {  	_ =	swait.ge @!p0 [sflag:s22], $0x1000  }
0x81: {  	[sflag:s22] =	ssyncset.done @!p0 $0x0  }
0x82: {  	[sflag:s22] =	ssyncadd.s32 @!p0 $0xFFFFF000  }
0x83: {  	v4 =	vmov s20;
	s20 =	simm.s32 $0x0;
	s21 =	smov.u32 s17;
	s22 =	smov.u32 s18  }
.LBB2_12:
0x84: {  	v5 =	vor.u32 s20, v1  }
0x85: {  	vm0 =	vlt.s32 v5, v4  }
0x86: {  	v6 =	vshll.u32 v5, $0x6;
	_ =	sdelay $0x1  }
0x87: {  	v5 =	vld [tilespmem:s21+$0x0];
	_ =	sdelay $0x2  }
0x88: {  	v7 =	vld.idx.msk [tilespmem:v6+s11+$0x0], vm0  }
0x89: {  	v8 =	vor.u32 $0x1, v6;
	_ =	sdelay $0x3  }
0x8a: {  	[tilespmem:v5+s12+$0x0] =	vst.idx.msk vm0, v7  }
0x8b: {  	v46 =	vadd.s32 $0x100, v5;
	v7 =	vld.idx.msk [tilespmem:v8+s11+$0x0], vm0  }
0x8c: {  	v9 =	vor.u32 $0x2, v6;
	_ =	sdelay $0x3  }
0x8d: {  	[tilespmem:v46+s12+$0x0] =	vst.idx.msk vm0, v7  }
0x8e: {  	v47 =	vadd.s32 $0x200, v5;
	v7 =	vld.idx.msk [tilespmem:v9+s11+$0x0], vm0  }
0x8f: {  	v48 =	vor.u32 $0x3, v6;
	_ =	sdelay $0x3  }
0x90: {  	[tilespmem:v47+s12+$0x0] =	vst.idx.msk vm0, v7  }
0x91: {  	v49 =	vadd.s32 $0x300, v5;
	v7 =	vld.idx.msk [tilespmem:v48+s11+$0x0], vm0  }
0x92: {  	v50 =	vor.u32 $0x4, v6;
	_ =	sdelay $0x3  }
0x93: {  	[tilespmem:v49+s12+$0x0] =	vst.idx.msk vm0, v7  }
0x94: {  	v51 =	vadd.s32 $0x400, v5;
	v7 =	vld.idx.msk [tilespmem:v50+s11+$0x0], vm0  }
0x95: {  	v52 =	vor.u32 $0x5, v6;
	_ =	sdelay $0x3  }
0x96: {  	[tilespmem:v51+s12+$0x0] =	vst.idx.msk vm0, v7  }
0x97: {  	v53 =	vadd.s32 $0x500, v5;
	v7 =	vld.idx.msk [tilespmem:v52+s11+$0x0], vm0  }
0x98: {  	v54 =	vor.u32 $0x6, v6;
	_ =	sdelay $0x3  }
0x99: {  	[tilespmem:v53+s12+$0x0] =	vst.idx.msk vm0, v7  }
0x9a: {  	v55 =	vadd.s32 $0x600, v5;
	v7 =	vld.idx.msk [tilespmem:v54+s11+$0x0], vm0  }
0x9b: {  	v56 =	vor.u32 $0x7, v6;
	_ =	sdelay $0x3  }
0x9c: {  	[tilespmem:v55+s12+$0x0] =	vst.idx.msk vm0, v7  }
0x9d: {  	v57 =	vadd.s32 $0x700, v5;
	v7 =	vld.idx.msk [tilespmem:v56+s11+$0x0], vm0  }
0x9e: {  	v58 =	vor.u32 $0x8, v6;
	_ =	sdelay $0x3  }
0x9f: {  	[tilespmem:v57+s12+$0x0] =	vst.idx.msk vm0, v7  }
0xa0: {  	v59 =	vadd.s32 $0x800, v5;
	v7 =	vld.idx.msk [tilespmem:v58+s11+$0x0], vm0  }
0xa1: {  	v60 =	vor.u32 $0x9, v6;
	_ =	sdelay $0x3  }
0xa2: {  	[tilespmem:v59+s12+$0x0] =	vst.idx.msk vm0, v7  }
0xa3: {  	v61 =	vadd.s32 $0x900, v5;
	v7 =	vld.idx.msk [tilespmem:v60+s11+$0x0], vm0  }
0xa4: {  	v62 =	vor.u32 $0xA, v6;
	_ =	sdelay $0x3  }
0xa5: {  	[tilespmem:v61+s12+$0x0] =	vst.idx.msk vm0, v7  }
0xa6: {  	v63 =	vadd.s32 $0xA00, v5;
	v7 =	vld.idx.msk [tilespmem:v62+s11+$0x0], vm0  }
0xa7: {  	v12 =	vor.u32 $0xB, v6;
	_ =	sdelay $0x3  }
0xa8: {  	[tilespmem:v63+s12+$0x0] =	vst.idx.msk vm0, v7  }
0xa9: {  	v13 =	vadd.s32 $0xB00, v5;
	v7 =	vld.idx.msk [tilespmem:v12+s11+$0x0], vm0  }
0xaa: {  	v14 =	vor.u32 $0xC, v6;
	_ =	sdelay $0x3  }
0xab: {  	[tilespmem:v13+s12+$0x0] =	vst.idx.msk vm0, v7  }
0xac: {  	v15 =	vadd.s32 $0xC00, v5;
	v7 =	vld.idx.msk [tilespmem:v14+s11+$0x0], vm0  }
0xad: {  	v16 =	vor.u32 $0xD, v6;
	_ =	sdelay $0x3  }
0xae: {  	[tilespmem:v15+s12+$0x0] =	vst.idx.msk vm0, v7  }
0xaf: {  	v17 =	vadd.s32 $0xD00, v5;
	v7 =	vld.idx.msk [tilespmem:v16+s11+$0x0], vm0  }
0xb0: {  	v18 =	vor.u32 $0xE, v6;
	_ =	sdelay $0x3  }
0xb1: {  	[tilespmem:v17+s12+$0x0] =	vst.idx.msk vm0, v7  }
0xb2: {  	v19 =	vadd.s32 $0xE00, v5;
	v7 =	vld.idx.msk [tilespmem:v18+s11+$0x0], vm0  }
0xb3: {  	v20 =	vor.u32 $0xF, v6;
	_ =	sdelay $0x3  }
0xb4: {  	[tilespmem:v19+s12+$0x0] =	vst.idx.msk vm0, v7  }
0xb5: {  	v21 =	vadd.s32 $0xF00, v5;
	v7 =	vld.idx.msk [tilespmem:v20+s11+$0x0], vm0  }
0xb6: {  	v22 =	vor.u32 $0x10, v6;
	_ =	sdelay $0x3  }
0xb7: {  	[tilespmem:v21+s12+$0x0] =	vst.idx.msk vm0, v7  }
0xb8: {  	v23 =	vadd.s32 $0x1000, v5;
	v7 =	vld.idx.msk [tilespmem:v22+s11+$0x0], vm0  }
0xb9: {  	v24 =	vor.u32 $0x11, v6;
	_ =	sdelay $0x3  }
0xba: {  	[tilespmem:v23+s12+$0x0] =	vst.idx.msk vm0, v7  }
0xbb: {  	v25 =	vadd.s32 $0x1100, v5;
	v7 =	vld.idx.msk [tilespmem:v24+s11+$0x0], vm0  }
0xbc: {  	v26 =	vor.u32 $0x12, v6;
	_ =	sdelay $0x3  }
0xbd: {  	[tilespmem:v25+s12+$0x0] =	vst.idx.msk vm0, v7  }
0xbe: {  	v27 =	vadd.s32 $0x1200, v5;
	v7 =	vld.idx.msk [tilespmem:v26+s11+$0x0], vm0  }
0xbf: {  	v28 =	vor.u32 $0x13, v6;
	_ =	sdelay $0x3  }
0xc0: {  	[tilespmem:v27+s12+$0x0] =	vst.idx.msk vm0, v7  }
0xc1: {  	v29 =	vadd.s32 $0x1300, v5;
	v7 =	vld.idx.msk [tilespmem:v28+s11+$0x0], vm0  }
0xc2: {  	v30 =	vor.u32 $0x14, v6;
	_ =	sdelay $0x3  }
0xc3: {  	[tilespmem:v29+s12+$0x0] =	vst.idx.msk vm0, v7  }
0xc4: {  	v31 =	vadd.s32 $0x1400, v5;
	v7 =	vld.idx.msk [tilespmem:v30+s11+$0x0], vm0  }
0xc5: {  	v32 =	vor.u32 $0x15, v6;
	_ =	sdelay $0x3  }
0xc6: {  	[tilespmem:v31+s12+$0x0] =	vst.idx.msk vm0, v7  }
0xc7: {  	v33 =	vadd.s32 $0x1500, v5;
	v7 =	vld.idx.msk [tilespmem:v32+s11+$0x0], vm0  }
0xc8: {  	v34 =	vor.u32 $0x16, v6;
	_ =	sdelay $0x3  }
0xc9: {  	[tilespmem:v33+s12+$0x0] =	vst.idx.msk vm0, v7  }
0xca: {  	v35 =	vadd.s32 $0x1600, v5;
	v7 =	vld.idx.msk [tilespmem:v34+s11+$0x0], vm0  }
0xcb: {  	v36 =	vor.u32 $0x17, v6;
	_ =	sdelay $0x3  }
0xcc: {  	[tilespmem:v35+s12+$0x0] =	vst.idx.msk vm0, v7  }
0xcd: {  	v37 =	vadd.s32 $0x1700, v5;
	v7 =	vld.idx.msk [tilespmem:v36+s11+$0x0], vm0  }
0xce: {  	v38 =	vor.u32 $0x18, v6;
	_ =	sdelay $0x3  }
0xcf: {  	[tilespmem:v37+s12+$0x0] =	vst.idx.msk vm0, v7  }
0xd0: {  	v39 =	vadd.s32 $0x1800, v5;
	v7 =	vld.idx.msk [tilespmem:v38+s11+$0x0], vm0  }
0xd1: {  	v40 =	vor.u32 $0x19, v6;
	_ =	sdelay $0x3  }
0xd2: {  	[tilespmem:v39+s12+$0x0] =	vst.idx.msk vm0, v7  }
0xd3: {  	v41 =	vadd.s32 $0x1900, v5;
	v7 =	vld.idx.msk [tilespmem:v40+s11+$0x0], vm0  }
0xd4: {  	v42 =	vor.u32 $0x1A, v6;
	_ =	sdelay $0x3  }
0xd5: {  	[tilespmem:v41+s12+$0x0] =	vst.idx.msk vm0, v7  }
0xd6: {  	v43 =	vadd.s32 $0x1A00, v5;
	v7 =	vld.idx.msk [tilespmem:v42+s11+$0x0], vm0  }
0xd7: {  	v44 =	vor.u32 $0x1B, v6;
	_ =	sdelay $0x3  }
0xd8: {  	[tilespmem:v43+s12+$0x0] =	vst.idx.msk vm0, v7  }
0xd9: {  	v45 =	vadd.s32 $0x1B00, v5;
	v7 =	vld.idx.msk [tilespmem:v44+s11+$0x0], vm0  }
0xda: {  	v46 =	vor.u32 $0x1C, v6;
	_ =	sdelay $0x3  }
0xdb: {  	[tilespmem:v45+s12+$0x0] =	vst.idx.msk vm0, v7  }
0xdc: {  	v47 =	vadd.s32 $0x1C00, v5;
	v7 =	vld.idx.msk [tilespmem:v46+s11+$0x0], vm0  }
0xdd: {  	v48 =	vor.u32 $0x1D, v6;
	_ =	sdelay $0x3  }
0xde: {  	[tilespmem:v47+s12+$0x0] =	vst.idx.msk vm0, v7  }
0xdf: {  	v49 =	vadd.s32 $0x1D00, v5;
	v7 =	vld.idx.msk [tilespmem:v48+s11+$0x0], vm0  }
0xe0: {  	v50 =	vor.u32 $0x1E, v6;
	_ =	sdelay $0x3  }
0xe1: {  	[tilespmem:v49+s12+$0x0] =	vst.idx.msk vm0, v7  }
0xe2: {  	v51 =	vadd.s32 $0x1E00, v5;
	v7 =	vld.idx.msk [tilespmem:v50+s11+$0x0], vm0  }
0xe3: {  	v52 =	vor.u32 $0x1F, v6;
	_ =	sdelay $0x3  }
0xe4: {  	[tilespmem:v51+s12+$0x0] =	vst.idx.msk vm0, v7  }
0xe5: {  	v53 =	vadd.s32 $0x1F00, v5;
	v7 =	vld.idx.msk [tilespmem:v52+s11+$0x0], vm0  }
0xe6: {  	v54 =	vor.u32 $0x20, v6;
	_ =	sdelay $0x3  }
0xe7: {  	[tilespmem:v53+s12+$0x0] =	vst.idx.msk vm0, v7  }
0xe8: {  	v55 =	vadd.s32 $0x2000, v5;
	v7 =	vld.idx.msk [tilespmem:v54+s11+$0x0], vm0  }
0xe9: {  	v56 =	vor.u32 $0x21, v6;
	_ =	sdelay $0x3  }
0xea: {  	[tilespmem:v55+s12+$0x0] =	vst.idx.msk vm0, v7  }
0xeb: {  	v57 =	vadd.s32 $0x2100, v5;
	v7 =	vld.idx.msk [tilespmem:v56+s11+$0x0], vm0  }
0xec: {  	v58 =	vor.u32 $0x22, v6;
	_ =	sdelay $0x3  }
0xed: {  	[tilespmem:v57+s12+$0x0] =	vst.idx.msk vm0, v7  }
0xee: {  	v59 =	vadd.s32 $0x2200, v5;
	v7 =	vld.idx.msk [tilespmem:v58+s11+$0x0], vm0  }
0xef: {  	v60 =	vor.u32 $0x23, v6;
	_ =	sdelay $0x3  }
0xf0: {  	[tilespmem:v59+s12+$0x0] =	vst.idx.msk vm0, v7  }
0xf1: {  	v61 =	vadd.s32 $0x2300, v5;
	v7 =	vld.idx.msk [tilespmem:v60+s11+$0x0], vm0  }
0xf2: {  	v62 =	vor.u32 $0x24, v6;
	_ =	sdelay $0x3  }
0xf3: {  	[tilespmem:v61+s12+$0x0] =	vst.idx.msk vm0, v7  }
0xf4: {  	v63 =	vadd.s32 $0x2400, v5;
	v7 =	vld.idx.msk [tilespmem:v62+s11+$0x0], vm0  }
0xf5: {  	v12 =	vor.u32 $0x25, v6;
	_ =	sdelay $0x3  }
0xf6: {  	[tilespmem:v63+s12+$0x0] =	vst.idx.msk vm0, v7  }
0xf7: {  	v13 =	vadd.s32 $0x2500, v5;
	v7 =	vld.idx.msk [tilespmem:v12+s11+$0x0], vm0  }
0xf8: {  	v14 =	vor.u32 $0x26, v6;
	_ =	sdelay $0x3  }
0xf9: {  	[tilespmem:v13+s12+$0x0] =	vst.idx.msk vm0, v7  }
0xfa: {  	v15 =	vadd.s32 $0x2600, v5;
	v7 =	vld.idx.msk [tilespmem:v14+s11+$0x0], vm0  }
0xfb: {  	v16 =	vor.u32 $0x27, v6;
	_ =	sdelay $0x3  }
0xfc: {  	[tilespmem:v15+s12+$0x0] =	vst.idx.msk vm0, v7  }
0xfd: {  	v17 =	vadd.s32 $0x2700, v5;
	v7 =	vld.idx.msk [tilespmem:v16+s11+$0x0], vm0  }
0xfe: {  	v18 =	vor.u32 $0x28, v6;
	_ =	sdelay $0x3  }
0xff: {  	[tilespmem:v17+s12+$0x0] =	vst.idx.msk vm0, v7  }
0x100: {  	v19 =	vadd.s32 $0x2800, v5;
	v7 =	vld.idx.msk [tilespmem:v18+s11+$0x0], vm0  }
0x101: {  	v20 =	vor.u32 $0x29, v6;
	_ =	sdelay $0x3  }
0x102: {  	[tilespmem:v19+s12+$0x0] =	vst.idx.msk vm0, v7  }
0x103: {  	v21 =	vadd.s32 $0x2900, v5;
	v7 =	vld.idx.msk [tilespmem:v20+s11+$0x0], vm0  }
0x104: {  	v22 =	vor.u32 $0x2A, v6;
	_ =	sdelay $0x3  }
0x105: {  	[tilespmem:v21+s12+$0x0] =	vst.idx.msk vm0, v7  }
0x106: {  	v23 =	vadd.s32 $0x2A00, v5;
	v7 =	vld.idx.msk [tilespmem:v22+s11+$0x0], vm0  }
0x107: {  	v24 =	vor.u32 $0x2B, v6;
	_ =	sdelay $0x3  }
0x108: {  	[tilespmem:v23+s12+$0x0] =	vst.idx.msk vm0, v7  }
0x109: {  	v25 =	vadd.s32 $0x2B00, v5;
	v7 =	vld.idx.msk [tilespmem:v24+s11+$0x0], vm0  }
0x10a: {  	v26 =	vor.u32 $0x2C, v6;
	_ =	sdelay $0x3  }
0x10b: {  	[tilespmem:v25+s12+$0x0] =	vst.idx.msk vm0, v7  }
0x10c: {  	v27 =	vadd.s32 $0x2C00, v5;
	v7 =	vld.idx.msk [tilespmem:v26+s11+$0x0], vm0  }
0x10d: {  	v28 =	vor.u32 $0x2D, v6;
	_ =	sdelay $0x3  }
0x10e: {  	[tilespmem:v27+s12+$0x0] =	vst.idx.msk vm0, v7  }
0x10f: {  	v29 =	vadd.s32 $0x2D00, v5;
	v7 =	vld.idx.msk [tilespmem:v28+s11+$0x0], vm0  }
0x110: {  	v30 =	vor.u32 $0x2E, v6;
	_ =	sdelay $0x3  }
0x111: {  	[tilespmem:v29+s12+$0x0] =	vst.idx.msk vm0, v7  }
0x112: {  	v31 =	vadd.s32 $0x2E00, v5;
	v7 =	vld.idx.msk [tilespmem:v30+s11+$0x0], vm0  }
0x113: {  	v32 =	vor.u32 $0x2F, v6;
	_ =	sdelay $0x3  }
0x114: {  	[tilespmem:v31+s12+$0x0] =	vst.idx.msk vm0, v7  }
0x115: {  	v33 =	vadd.s32 $0x2F00, v5;
	v7 =	vld.idx.msk [tilespmem:v32+s11+$0x0], vm0  }
0x116: {  	v34 =	vor.u32 $0x30, v6;
	_ =	sdelay $0x3  }
0x117: {  	[tilespmem:v33+s12+$0x0] =	vst.idx.msk vm0, v7  }
0x118: {  	v35 =	vadd.s32 $0x3000, v5;
	v7 =	vld.idx.msk [tilespmem:v34+s11+$0x0], vm0  }
0x119: {  	v36 =	vor.u32 $0x31, v6;
	_ =	sdelay $0x3  }
0x11a: {  	[tilespmem:v35+s12+$0x0] =	vst.idx.msk vm0, v7  }
0x11b: {  	v37 =	vadd.s32 $0x3100, v5;
	v7 =	vld.idx.msk [tilespmem:v36+s11+$0x0], vm0  }
0x11c: {  	v38 =	vor.u32 $0x32, v6;
	_ =	sdelay $0x3  }
0x11d: {  	[tilespmem:v37+s12+$0x0] =	vst.idx.msk vm0, v7  }
0x11e: {  	v39 =	vadd.s32 $0x3200, v5;
	v7 =	vld.idx.msk [tilespmem:v38+s11+$0x0], vm0  }
0x11f: {  	v40 =	vor.u32 $0x33, v6;
	_ =	sdelay $0x3  }
0x120: {  	[tilespmem:v39+s12+$0x0] =	vst.idx.msk vm0, v7  }
0x121: {  	v41 =	vadd.s32 $0x3300, v5;
	v7 =	vld.idx.msk [tilespmem:v40+s11+$0x0], vm0  }
0x122: {  	v42 =	vor.u32 $0x34, v6;
	_ =	sdelay $0x3  }
0x123: {  	[tilespmem:v41+s12+$0x0] =	vst.idx.msk vm0, v7  }
0x124: {  	v43 =	vadd.s32 $0x3400, v5;
	v7 =	vld.idx.msk [tilespmem:v42+s11+$0x0], vm0  }
0x125: {  	v44 =	vor.u32 $0x35, v6;
	_ =	sdelay $0x3  }
0x126: {  	[tilespmem:v43+s12+$0x0] =	vst.idx.msk vm0, v7  }
0x127: {  	v45 =	vadd.s32 $0x3500, v5;
	v7 =	vld.idx.msk [tilespmem:v44+s11+$0x0], vm0  }
0x128: {  	v46 =	vor.u32 $0x36, v6;
	_ =	sdelay $0x3  }
0x129: {  	[tilespmem:v45+s12+$0x0] =	vst.idx.msk vm0, v7  }
0x12a: {  	v47 =	vadd.s32 $0x3600, v5;
	v7 =	vld.idx.msk [tilespmem:v46+s11+$0x0], vm0  }
0x12b: {  	v48 =	vor.u32 $0x37, v6;
	_ =	sdelay $0x3  }
0x12c: {  	[tilespmem:v47+s12+$0x0] =	vst.idx.msk vm0, v7  }
0x12d: {  	v49 =	vadd.s32 $0x3700, v5;
	v7 =	vld.idx.msk [tilespmem:v48+s11+$0x0], vm0  }
0x12e: {  	v50 =	vor.u32 $0x38, v6;
	_ =	sdelay $0x3  }
0x12f: {  	[tilespmem:v49+s12+$0x0] =	vst.idx.msk vm0, v7  }
0x130: {  	v51 =	vadd.s32 $0x3800, v5;
	v7 =	vld.idx.msk [tilespmem:v50+s11+$0x0], vm0  }
0x131: {  	v52 =	vor.u32 $0x39, v6;
	_ =	sdelay $0x3  }
0x132: {  	[tilespmem:v51+s12+$0x0] =	vst.idx.msk vm0, v7  }
0x133: {  	v53 =	vadd.s32 $0x3900, v5;
	v7 =	vld.idx.msk [tilespmem:v52+s11+$0x0], vm0  }
0x134: {  	v54 =	vor.u32 $0x3A, v6;
	_ =	sdelay $0x3  }
0x135: {  	[tilespmem:v53+s12+$0x0] =	vst.idx.msk vm0, v7  }
0x136: {  	v55 =	vadd.s32 $0x3A00, v5;
	v7 =	vld.idx.msk [tilespmem:v54+s11+$0x0], vm0  }
0x137: {  	v56 =	vor.u32 $0x3B, v6;
	_ =	sdelay $0x3  }
0x138: {  	[tilespmem:v55+s12+$0x0] =	vst.idx.msk vm0, v7  }
0x139: {  	v57 =	vadd.s32 $0x3B00, v5;
	v7 =	vld.idx.msk [tilespmem:v56+s11+$0x0], vm0  }
0x13a: {  	v58 =	vor.u32 $0x3C, v6;
	_ =	sdelay $0x3  }
0x13b: {  	[tilespmem:v57+s12+$0x0] =	vst.idx.msk vm0, v7  }
0x13c: {  	v59 =	vadd.s32 $0x3C00, v5;
	v7 =	vld.idx.msk [tilespmem:v58+s11+$0x0], vm0  }
0x13d: {  	v60 =	vor.u32 $0x3D, v6;
	_ =	sdelay $0x3  }
0x13e: {  	[tilespmem:v59+s12+$0x0] =	vst.idx.msk vm0, v7  }
0x13f: {  	v61 =	vadd.s32 $0x3D00, v5;
	v7 =	vld.idx.msk [tilespmem:v60+s11+$0x0], vm0  }
0x140: {  	v62 =	vor.u32 $0x3E, v6;
	_ =	sdelay $0x3  }
0x141: {  	[tilespmem:v61+s12+$0x0] =	vst.idx.msk vm0, v7  }
0x142: {  	v63 =	vadd.s32 $0x3E00, v5;
	v7 =	vld.idx.msk [tilespmem:v62+s11+$0x0], vm0  }
0x143: {  	v6 =	vor.u32 $0x3F, v6;
	_ =	sdelay $0x3  }
0x144: {  	[tilespmem:v63+s12+$0x0] =	vst.idx.msk vm0, v7  }
0x145: {  	p0 =	sne.s32 s22, $0x1;
	v5 =	vadd.s32 $0x3F00, v5;
	v6 =	vld.idx.msk [tilespmem:v6+s11+$0x0], vm0  }
.Ltmp9:
0x146: {  	_ = 	snop;
	(pc) =	sbr.rel @p0 .LBB2_12-.Ltmp9, $2  }
0x147: {  	_ =	sdelay $0x2  }
0x148: {  	s20 =	sadd.s32 $0x10, s20;
	s22 =	sadd.s32 $0xFFFFFFFF, s22;
	s21 =	sadd.s32 $0x10, s21;
	[tilespmem:v5+s12+$0x0] =	vst.idx.msk vm0, v6  }
0x149: {  	s19 =	sadd.s32 s6, s19  }
0x14a: {  	s19 =	sshrl.u32 s19, $0x3  }
0x14b: {  	s19 =	sadd.s32 s5, s19  }
0x14c: {  	[hbm4b:s19+s13] =	stream.strided.scatter [tilespmem:s12], [sflag:$0x2], $0x4000, s14, s13, $0x38;
	[tilespmem:$0x15800] =	vst v63  }
0x14d: {  	_ =	swait.ge [sflag:s8], $0x4000  }
0x14e: {  	[sflag:s8] =	ssyncset.done $0x0  }
0x14f: {  	[sflag:s8] =	ssyncadd.s32 $0xFFFFC000  }
0x150: {  	v5 =	vld [tilespmem:s17+$0x0]  }
0x151: {  	s19 =	simm.s32 $0x0  }
0x152: {  	v6 =	vor.u32 s19, v1  }
0x153: {  	vm0 =	vlt.s32 v6, v4;
	_ =	sdelay $0x1  }
0x154: {  	v6 =	vadd.s32 $0x100, v5  }
0x155: {  	v7 =	vadd.s32 $0x200, v5  }
0x156: {  	v8 =	vadd.s32 $0x300, v5  }
0x157: {  	v9 =	vadd.s32 $0x400, v5  }
0x158: {  	v10 =	vadd.s32 $0x500, v5;
	[tilespmem:v5+s12+$0x0] =	vst.idx.msk vm0, v2  }
0x159: {  	[tilespmem:v6+s12+$0x0] =	vst.idx.msk vm0, v2;
	v6 =	vadd.s32 $0x600, v5  }
0x15a: {  	[tilespmem:v7+s12+$0x0] =	vst.idx.msk vm0, v2;
	v7 =	vadd.s32 $0x700, v5  }
0x15b: {  	v31 =	vadd.s32 $0x800, v5;
	[tilespmem:v8+s12+$0x0] =	vst.idx.msk vm0, v2  }
0x15c: {  	v32 =	vadd.s32 $0x900, v5;
	[tilespmem:v9+s12+$0x0] =	vst.idx.msk vm0, v2  }
0x15d: {  	v33 =	vadd.s32 $0xA00, v5;
	[tilespmem:v10+s12+$0x0] =	vst.idx.msk vm0, v2  }
0x15e: {  	[tilespmem:v6+s12+$0x0] =	vst.idx.msk vm0, v2;
	v6 =	vadd.s32 $0xB00, v5  }
0x15f: {  	[tilespmem:v7+s12+$0x0] =	vst.idx.msk vm0, v2;
	v7 =	vadd.s32 $0xC00, v5  }
0x160: {  	v34 =	vadd.s32 $0xD00, v5;
	[tilespmem:v31+s12+$0x0] =	vst.idx.msk vm0, v2  }
0x161: {  	v35 =	vadd.s32 $0xE00, v5;
	[tilespmem:v32+s12+$0x0] =	vst.idx.msk vm0, v2  }
0x162: {  	v36 =	vadd.s32 $0xF00, v5;
	[tilespmem:v33+s12+$0x0] =	vst.idx.msk vm0, v2  }
0x163: {  	[tilespmem:v6+s12+$0x0] =	vst.idx.msk vm0, v2;
	v6 =	vadd.s32 $0x1000, v5  }
0x164: {  	[tilespmem:v7+s12+$0x0] =	vst.idx.msk vm0, v2;
	v7 =	vadd.s32 $0x1100, v5  }
0x165: {  	v37 =	vadd.s32 $0x1200, v5;
	[tilespmem:v34+s12+$0x0] =	vst.idx.msk vm0, v2  }
0x166: {  	v38 =	vadd.s32 $0x1300, v5;
	[tilespmem:v35+s12+$0x0] =	vst.idx.msk vm0, v2  }
0x167: {  	v39 =	vadd.s32 $0x1400, v5;
	[tilespmem:v36+s12+$0x0] =	vst.idx.msk vm0, v2  }
0x168: {  	[tilespmem:v6+s12+$0x0] =	vst.idx.msk vm0, v2;
	v6 =	vadd.s32 $0x1500, v5  }
0x169: {  	[tilespmem:v7+s12+$0x0] =	vst.idx.msk vm0, v2;
	v7 =	vadd.s32 $0x1600, v5  }
0x16a: {  	v40 =	vadd.s32 $0x1700, v5;
	[tilespmem:v37+s12+$0x0] =	vst.idx.msk vm0, v2  }
0x16b: {  	v41 =	vadd.s32 $0x1800, v5;
	[tilespmem:v38+s12+$0x0] =	vst.idx.msk vm0, v2  }
0x16c: {  	v42 =	vadd.s32 $0x1900, v5;
	[tilespmem:v39+s12+$0x0] =	vst.idx.msk vm0, v2  }
0x16d: {  	[tilespmem:v6+s12+$0x0] =	vst.idx.msk vm0, v2;
	v6 =	vadd.s32 $0x1A00, v5  }
0x16e: {  	[tilespmem:v7+s12+$0x0] =	vst.idx.msk vm0, v2;
	v7 =	vadd.s32 $0x1B00, v5  }
0x16f: {  	v43 =	vadd.s32 $0x1C00, v5;
	[tilespmem:v40+s12+$0x0] =	vst.idx.msk vm0, v2  }
0x170: {  	v44 =	vadd.s32 $0x1D00, v5;
	[tilespmem:v41+s12+$0x0] =	vst.idx.msk vm0, v2  }
0x171: {  	v45 =	vadd.s32 $0x1E00, v5;
	[tilespmem:v42+s12+$0x0] =	vst.idx.msk vm0, v2  }
0x172: {  	[tilespmem:v6+s12+$0x0] =	vst.idx.msk vm0, v2;
	v6 =	vadd.s32 $0x1F00, v5  }
0x173: {  	[tilespmem:v7+s12+$0x0] =	vst.idx.msk vm0, v2;
	v7 =	vadd.s32 $0x2000, v5  }
0x174: {  	v46 =	vadd.s32 $0x2100, v5;
	[tilespmem:v43+s12+$0x0] =	vst.idx.msk vm0, v2  }
0x175: {  	v47 =	vadd.s32 $0x2200, v5;
	[tilespmem:v44+s12+$0x0] =	vst.idx.msk vm0, v2  }
0x176: {  	v48 =	vadd.s32 $0x2300, v5;
	[tilespmem:v45+s12+$0x0] =	vst.idx.msk vm0, v2  }
0x177: {  	[tilespmem:v6+s12+$0x0] =	vst.idx.msk vm0, v2;
	v6 =	vadd.s32 $0x2400, v5  }
0x178: {  	[tilespmem:v7+s12+$0x0] =	vst.idx.msk vm0, v2;
	v7 =	vadd.s32 $0x2500, v5  }
0x179: {  	v49 =	vadd.s32 $0x2600, v5;
	[tilespmem:v46+s12+$0x0] =	vst.idx.msk vm0, v2  }
0x17a: {  	v50 =	vadd.s32 $0x2700, v5;
	[tilespmem:v47+s12+$0x0] =	vst.idx.msk vm0, v2  }
0x17b: {  	v51 =	vadd.s32 $0x2800, v5;
	[tilespmem:v48+s12+$0x0] =	vst.idx.msk vm0, v2  }
0x17c: {  	[tilespmem:v6+s12+$0x0] =	vst.idx.msk vm0, v2;
	v6 =	vadd.s32 $0x2900, v5  }
0x17d: {  	[tilespmem:v7+s12+$0x0] =	vst.idx.msk vm0, v2;
	v7 =	vadd.s32 $0x2A00, v5  }
0x17e: {  	v52 =	vadd.s32 $0x2B00, v5;
	[tilespmem:v49+s12+$0x0] =	vst.idx.msk vm0, v2  }
0x17f: {  	v53 =	vadd.s32 $0x2C00, v5;
	[tilespmem:v50+s12+$0x0] =	vst.idx.msk vm0, v2  }
0x180: {  	v54 =	vadd.s32 $0x2D00, v5;
	[tilespmem:v51+s12+$0x0] =	vst.idx.msk vm0, v2  }
0x181: {  	[tilespmem:v6+s12+$0x0] =	vst.idx.msk vm0, v2;
	v6 =	vadd.s32 $0x2E00, v5  }
0x182: {  	[tilespmem:v7+s12+$0x0] =	vst.idx.msk vm0, v2;
	v7 =	vadd.s32 $0x2F00, v5  }
0x183: {  	v55 =	vadd.s32 $0x3000, v5;
	[tilespmem:v52+s12+$0x0] =	vst.idx.msk vm0, v2  }
0x184: {  	v56 =	vadd.s32 $0x3100, v5;
	[tilespmem:v53+s12+$0x0] =	vst.idx.msk vm0, v2  }
0x185: {  	v57 =	vadd.s32 $0x3200, v5;
	[tilespmem:v54+s12+$0x0] =	vst.idx.msk vm0, v2  }
0x186: {  	[tilespmem:v6+s12+$0x0] =	vst.idx.msk vm0, v2;
	v6 =	vadd.s32 $0x3300, v5  }
0x187: {  	[tilespmem:v7+s12+$0x0] =	vst.idx.msk vm0, v2;
	v7 =	vadd.s32 $0x3400, v5  }
0x188: {  	v58 =	vadd.s32 $0x3500, v5;
	[tilespmem:v55+s12+$0x0] =	vst.idx.msk vm0, v2  }
0x189: {  	v59 =	vadd.s32 $0x3600, v5;
	[tilespmem:v56+s12+$0x0] =	vst.idx.msk vm0, v2  }
0x18a: {  	v60 =	vadd.s32 $0x3700, v5;
	[tilespmem:v57+s12+$0x0] =	vst.idx.msk vm0, v2  }
0x18b: {  	[tilespmem:v6+s12+$0x0] =	vst.idx.msk vm0, v2;
	v6 =	vadd.s32 $0x3800, v5  }
0x18c: {  	[tilespmem:v7+s12+$0x0] =	vst.idx.msk vm0, v2;
	v7 =	vadd.s32 $0x3900, v5  }
0x18d: {  	v61 =	vadd.s32 $0x3A00, v5;
	[tilespmem:v58+s12+$0x0] =	vst.idx.msk vm0, v2  }
0x18e: {  	v62 =	vadd.s32 $0x3B00, v5;
	[tilespmem:v59+s12+$0x0] =	vst.idx.msk vm0, v2  }
0x18f: {  	v63 =	vadd.s32 $0x3C00, v5;
	[tilespmem:v60+s12+$0x0] =	vst.idx.msk vm0, v2  }
0x190: {  	[tilespmem:v6+s12+$0x0] =	vst.idx.msk vm0, v2;
	v6 =	vadd.s32 $0x3D00, v5  }
0x191: {  	p0 =	seq.s32 s18, $0x1;
	[tilespmem:v7+s12+$0x0] =	vst.idx.msk vm0, v2;
	v7 =	vadd.s32 $0x3E00, v5  }
.Ltmp10:
0x192: {  	v5 =	vadd.s32 $0x3F00, v5;
	[tilespmem:v61+s12+$0x0] =	vst.idx.msk vm0, v2;
	(pc) =	sbr.rel @p0 .LBB2_15-.Ltmp10, $4  }
0x193: {  	[tilespmem:v62+s12+$0x0] =	vst.idx.msk vm0, v2  }
0x194: {  	[tilespmem:v63+s12+$0x0] =	vst.idx.msk vm0, v2  }
0x195: {  	[tilespmem:v6+s12+$0x0] =	vst.idx.msk vm0, v2  }
0x196: {  	s18 =	sadd.s32 $0xFFFFFFFF, s18;
	s20 =	smov.u32 s17;
	[tilespmem:v7+s12+$0x0] =	vst.idx.msk vm0, v2  }
.LBB2_14:
0x197: {  	p0 =	seq.s32 s18, $0x1;
	[tilespmem:v5+s12+$0x0] =	vst.idx.msk vm0, v2;
	s20 =	sadd.s32 $0x10, s20;
	s19 =	sadd.s32 $0x10, s19  }
0x198: {  	s18 =	sadd.s32 $0xFFFFFFFF, s18;
	v5 =	vld [tilespmem:s20+$0x0];
	_ =	sdelay $0x1  }
0x199: {  	v6 =	vor.u32 s19, v1  }
0x19a: {  	vm0 =	vlt.s32 v6, v4;
	_ =	sdelay $0x1  }
0x19b: {  	v6 =	vadd.s32 $0x100, v5  }
0x19c: {  	v7 =	vadd.s32 $0x200, v5  }
0x19d: {  	v8 =	vadd.s32 $0x300, v5  }
0x19e: {  	v9 =	vadd.s32 $0x400, v5  }
0x19f: {  	v10 =	vadd.s32 $0x500, v5;
	[tilespmem:v5+s12+$0x0] =	vst.idx.msk vm0, v2  }
0x1a0: {  	[tilespmem:v6+s12+$0x0] =	vst.idx.msk vm0, v2;
	v6 =	vadd.s32 $0x600, v5  }
0x1a1: {  	[tilespmem:v7+s12+$0x0] =	vst.idx.msk vm0, v2;
	v7 =	vadd.s32 $0x700, v5  }
0x1a2: {  	[tilespmem:v8+s12+$0x0] =	vst.idx.msk vm0, v2;
	v8 =	vadd.s32 $0x800, v5  }
0x1a3: {  	[tilespmem:v9+s12+$0x0] =	vst.idx.msk vm0, v2;
	v9 =	vadd.s32 $0x900, v5  }
0x1a4: {  	[tilespmem:v10+s12+$0x0] =	vst.idx.msk vm0, v2;
	v10 =	vadd.s32 $0xA00, v5  }
0x1a5: {  	[tilespmem:v6+s12+$0x0] =	vst.idx.msk vm0, v2;
	v6 =	vadd.s32 $0xB00, v5  }
0x1a6: {  	[tilespmem:v7+s12+$0x0] =	vst.idx.msk vm0, v2;
	v7 =	vadd.s32 $0xC00, v5  }
0x1a7: {  	[tilespmem:v8+s12+$0x0] =	vst.idx.msk vm0, v2;
	v8 =	vadd.s32 $0xD00, v5  }
0x1a8: {  	[tilespmem:v9+s12+$0x0] =	vst.idx.msk vm0, v2;
	v9 =	vadd.s32 $0xE00, v5  }
0x1a9: {  	[tilespmem:v10+s12+$0x0] =	vst.idx.msk vm0, v2;
	v10 =	vadd.s32 $0xF00, v5  }
0x1aa: {  	[tilespmem:v6+s12+$0x0] =	vst.idx.msk vm0, v2;
	v6 =	vadd.s32 $0x1000, v5  }
0x1ab: {  	[tilespmem:v7+s12+$0x0] =	vst.idx.msk vm0, v2;
	v7 =	vadd.s32 $0x1100, v5  }
0x1ac: {  	[tilespmem:v8+s12+$0x0] =	vst.idx.msk vm0, v2;
	v8 =	vadd.s32 $0x1200, v5  }
0x1ad: {  	[tilespmem:v9+s12+$0x0] =	vst.idx.msk vm0, v2;
	v9 =	vadd.s32 $0x1300, v5  }
0x1ae: {  	[tilespmem:v10+s12+$0x0] =	vst.idx.msk vm0, v2;
	v10 =	vadd.s32 $0x1400, v5  }
0x1af: {  	[tilespmem:v6+s12+$0x0] =	vst.idx.msk vm0, v2;
	v6 =	vadd.s32 $0x1500, v5  }
0x1b0: {  	[tilespmem:v7+s12+$0x0] =	vst.idx.msk vm0, v2;
	v7 =	vadd.s32 $0x1600, v5  }
0x1b1: {  	[tilespmem:v8+s12+$0x0] =	vst.idx.msk vm0, v2;
	v8 =	vadd.s32 $0x1700, v5  }
0x1b2: {  	[tilespmem:v9+s12+$0x0] =	vst.idx.msk vm0, v2;
	v9 =	vadd.s32 $0x1800, v5  }
0x1b3: {  	[tilespmem:v10+s12+$0x0] =	vst.idx.msk vm0, v2;
	v10 =	vadd.s32 $0x1900, v5  }
0x1b4: {  	[tilespmem:v6+s12+$0x0] =	vst.idx.msk vm0, v2;
	v6 =	vadd.s32 $0x1A00, v5  }
0x1b5: {  	[tilespmem:v7+s12+$0x0] =	vst.idx.msk vm0, v2;
	v7 =	vadd.s32 $0x1B00, v5  }
0x1b6: {  	[tilespmem:v8+s12+$0x0] =	vst.idx.msk vm0, v2;
	v8 =	vadd.s32 $0x1C00, v5  }
0x1b7: {  	[tilespmem:v9+s12+$0x0] =	vst.idx.msk vm0, v2;
	v9 =	vadd.s32 $0x1D00, v5  }
0x1b8: {  	[tilespmem:v10+s12+$0x0] =	vst.idx.msk vm0, v2;
	v10 =	vadd.s32 $0x1E00, v5  }
0x1b9: {  	[tilespmem:v6+s12+$0x0] =	vst.idx.msk vm0, v2;
	v6 =	vadd.s32 $0x1F00, v5  }
0x1ba: {  	[tilespmem:v7+s12+$0x0] =	vst.idx.msk vm0, v2;
	v7 =	vadd.s32 $0x2000, v5  }
0x1bb: {  	[tilespmem:v8+s12+$0x0] =	vst.idx.msk vm0, v2;
	v8 =	vadd.s32 $0x2100, v5  }
0x1bc: {  	[tilespmem:v9+s12+$0x0] =	vst.idx.msk vm0, v2;
	v9 =	vadd.s32 $0x2200, v5  }
0x1bd: {  	[tilespmem:v10+s12+$0x0] =	vst.idx.msk vm0, v2;
	v10 =	vadd.s32 $0x2300, v5  }
0x1be: {  	[tilespmem:v6+s12+$0x0] =	vst.idx.msk vm0, v2;
	v6 =	vadd.s32 $0x2400, v5  }
0x1bf: {  	[tilespmem:v7+s12+$0x0] =	vst.idx.msk vm0, v2;
	v7 =	vadd.s32 $0x2500, v5  }
0x1c0: {  	[tilespmem:v8+s12+$0x0] =	vst.idx.msk vm0, v2;
	v8 =	vadd.s32 $0x2600, v5  }
0x1c1: {  	[tilespmem:v9+s12+$0x0] =	vst.idx.msk vm0, v2;
	v9 =	vadd.s32 $0x2700, v5  }
0x1c2: {  	[tilespmem:v10+s12+$0x0] =	vst.idx.msk vm0, v2;
	v10 =	vadd.s32 $0x2800, v5  }
0x1c3: {  	[tilespmem:v6+s12+$0x0] =	vst.idx.msk vm0, v2;
	v6 =	vadd.s32 $0x2900, v5  }
0x1c4: {  	[tilespmem:v7+s12+$0x0] =	vst.idx.msk vm0, v2;
	v7 =	vadd.s32 $0x2A00, v5  }
0x1c5: {  	[tilespmem:v8+s12+$0x0] =	vst.idx.msk vm0, v2;
	v8 =	vadd.s32 $0x2B00, v5  }
0x1c6: {  	[tilespmem:v9+s12+$0x0] =	vst.idx.msk vm0, v2;
	v9 =	vadd.s32 $0x2C00, v5  }
0x1c7: {  	[tilespmem:v10+s12+$0x0] =	vst.idx.msk vm0, v2;
	v10 =	vadd.s32 $0x2D00, v5  }
0x1c8: {  	[tilespmem:v6+s12+$0x0] =	vst.idx.msk vm0, v2;
	v6 =	vadd.s32 $0x2E00, v5  }
0x1c9: {  	[tilespmem:v7+s12+$0x0] =	vst.idx.msk vm0, v2;
	v7 =	vadd.s32 $0x2F00, v5  }
0x1ca: {  	[tilespmem:v8+s12+$0x0] =	vst.idx.msk vm0, v2;
	v8 =	vadd.s32 $0x3000, v5  }
0x1cb: {  	[tilespmem:v9+s12+$0x0] =	vst.idx.msk vm0, v2;
	v9 =	vadd.s32 $0x3100, v5  }
0x1cc: {  	[tilespmem:v10+s12+$0x0] =	vst.idx.msk vm0, v2;
	v10 =	vadd.s32 $0x3200, v5  }
0x1cd: {  	[tilespmem:v6+s12+$0x0] =	vst.idx.msk vm0, v2;
	v6 =	vadd.s32 $0x3300, v5  }
0x1ce: {  	[tilespmem:v7+s12+$0x0] =	vst.idx.msk vm0, v2;
	v7 =	vadd.s32 $0x3400, v5  }
0x1cf: {  	[tilespmem:v8+s12+$0x0] =	vst.idx.msk vm0, v2;
	v8 =	vadd.s32 $0x3500, v5  }
0x1d0: {  	[tilespmem:v9+s12+$0x0] =	vst.idx.msk vm0, v2;
	v9 =	vadd.s32 $0x3600, v5  }
0x1d1: {  	[tilespmem:v10+s12+$0x0] =	vst.idx.msk vm0, v2;
	v10 =	vadd.s32 $0x3700, v5  }
0x1d2: {  	[tilespmem:v6+s12+$0x0] =	vst.idx.msk vm0, v2;
	v6 =	vadd.s32 $0x3800, v5  }
0x1d3: {  	[tilespmem:v7+s12+$0x0] =	vst.idx.msk vm0, v2;
	v7 =	vadd.s32 $0x3900, v5  }
0x1d4: {  	[tilespmem:v8+s12+$0x0] =	vst.idx.msk vm0, v2;
	v8 =	vadd.s32 $0x3A00, v5  }
0x1d5: {  	[tilespmem:v9+s12+$0x0] =	vst.idx.msk vm0, v2;
	v9 =	vadd.s32 $0x3B00, v5  }
0x1d6: {  	[tilespmem:v10+s12+$0x0] =	vst.idx.msk vm0, v2;
	v10 =	vadd.s32 $0x3C00, v5  }
0x1d7: {  	[tilespmem:v6+s12+$0x0] =	vst.idx.msk vm0, v2;
	v6 =	vadd.s32 $0x3D00, v5  }
0x1d8: {  	[tilespmem:v7+s12+$0x0] =	vst.idx.msk vm0, v2;
	v7 =	vadd.s32 $0x3E00, v5  }
.Ltmp11:
0x1d9: {  	v5 =	vadd.s32 $0x3F00, v5;
	[tilespmem:v8+s12+$0x0] =	vst.idx.msk vm0, v2;
	(pc) =	sbr.rel @!p0 .LBB2_14-.Ltmp11, $4  }
0x1da: {  	[tilespmem:v9+s12+$0x0] =	vst.idx.msk vm0, v2  }
0x1db: {  	[tilespmem:v10+s12+$0x0] =	vst.idx.msk vm0, v2  }
0x1dc: {  	[tilespmem:v6+s12+$0x0] =	vst.idx.msk vm0, v2  }
0x1dd: {  	[tilespmem:v7+s12+$0x0] =	vst.idx.msk vm0, v2  }
.LBB2_15:
0x1de: {  	_ = 	snop  }
.Ltmp12:
0x1df: {  	_ = 	snop;
	(pc) =	sbr.rel .LBB2_17-.Ltmp12, $2  }
0x1e0: {  	_ =	sdelay $0x2  }
0x1e1: {  	[tilespmem:v5+s12+$0x0] =	vst.idx.msk vm0, v2  }
.LBB2_19:
0x1e2: {  	_ =	sfence.sel $0x180000  }
0x1e3: {  	[bflag:$0x0] =	sbarrier.arrive $0xFFFF  }
0x1e4: {  	p0 =	sne.s32 s4, $0x0;
	_ =	strace $0x90000047  }
0x1e5: {  	s0 =	sadd.s32 @!p0 $0x100000, s0;
	[bflag:$0x2] =	sbarrier.arrive $0xFFFF  }
0x1e6: {  	[sflag:s0] =	ssyncadd.tile.s32 @!p0 $0x1;
	_ =	shalt  }
.Lfunc_end2:
_tile_overlayer_lowered:
.L_overlay_start_2:
0x1e7: {  	(tag) =	ssettag $0x2  }
0x1e8: {  	s0 =	rddreg [dreg:$0x0];
	s2 =	stileid.u32  }
0x1e9: {  	s1 =	rddreg [dreg:$0x1];
	p0 =	sne.s32 s2, $0x0  }
0x1ea: {  	s3 =	rddreg [dreg:$0x2];
	[bflag:$0x3] =	sbarrier.arrive $0xFFFF;
	s2 =	simm.s32 @!p0 $0x1C02  }
0x1eb: {  	[timem:s3], [sflag:s2] =	dma.local @!p0 [hbm:s0], s1  }
0x1ec: {  	s0 =	simm.s32 @!p0 $0x2  }
0x1ed: {  	_ =	swait.ge @!p0 [sflag:s0], s1  }
0x1ee: {  	s1 =	ssub.s32 @!p0 $0x0, s1;
	[sflag:s0] =	ssyncset.done @!p0 $0x0  }
0x1ef: {  	[sflag:s0] =	ssyncadd.s32 @!p0 s1  }
0x1f0: {  	[bflag:$0x3] =	sbarrier.arrive $0xFFFF  }
0x1f1: {  	_ =	shalt  }

</sc_bundles>
